<compile_context>
chip_gen: v7x
topology: tpu7x:2x2x1
jax: 0.10.2.dev20260603
libtpu: 0.0.44.dev20260713+nightly
codegen_flags: <defaults>
</compile_context>

<pallas_src>
import functools

import jax
import jax.numpy as jnp
from jax import lax
from jax.experimental import pallas as pl
from jax.experimental.pallas import tpu as pltpu
from jax.experimental.pallas import tpu_sc as plsc

N = 4096
D = 2048
L = 16
NC = 2
NS = 16
NW = NC * NS
ROWS_PER_W = N // NW
NGROUP = ROWS_PER_W // L

_mesh = plsc.VectorSubcoreMesh(core_axis_name="c", subcore_axis_name="s")


@functools.partial(
    pl.kernel,
    out_type=jax.ShapeDtypeStruct((N, D), jnp.float32),
    mesh=_mesh,
    compiler_params=pltpu.CompilerParams(needs_layout_passes=False),
    scratch_types=[
        pltpu.VMEM((N,), jnp.int32),
        pltpu.VMEM((ROWS_PER_W + L,), jnp.int32),
        pltpu.VMEM((ROWS_PER_W + L,), jnp.int32),
        pltpu.VMEM((L, D), jnp.float32),
        pltpu.VMEM((L, D), jnp.float32),
        pltpu.VMEM((L, D), jnp.float32),
        pltpu.SemaphoreType.DMA,
        pltpu.SemaphoreType.DMA,
        pltpu.SemaphoreType.DMA,
        pltpu.SemaphoreType.DMA,
        pltpu.SemaphoreType.DMA,
        pltpu.SemaphoreType.DMA,
    ],
)
def _recover(w_hbm, mask_hbm, out_hbm, mask_v, pos1_v, pos0_v,
             buf0, buf1, zbuf, sem_m, sem_g0, sem_g1, sem_w0, sem_w1,
             sem_zs):
    cid = lax.axis_index("c")
    sid = lax.axis_index("s")
    wid = sid * NC + cid
    base = wid * ROWS_PER_W

    pltpu.async_copy(mask_hbm, mask_v, sem_m).wait()

    def _psum(j, acc):
        for u in range(ROWS_PER_W // L):
            acc = acc + mask_v[pl.ds((j * (ROWS_PER_W // L) + u) * L, L)]
        return acc

    acc = lax.fori_loop(0, wid, _psum, jnp.zeros((L,), jnp.int32))
    prefix = jnp.sum(acc)

    iota = lax.iota(jnp.int32, L)

    def _build(g, carry):
        cnt1, cnt0, last1, last0 = carry
        pos = base + g * L + iota
        mvec = mask_v[pl.ds(base + g * L, L)]
        m1 = mvec != 0
        n1 = jnp.sum(mvec)
        plsc.store_compressed(pos1_v.at[pl.ds(cnt1, L)], pos, mask=m1)
        plsc.store_compressed(pos0_v.at[pl.ds(cnt0, L)], pos, mask=~m1)
        last1 = jnp.maximum(last1, jnp.max(jnp.where(m1, pos, -1)))
        last0 = jnp.maximum(last0, jnp.max(jnp.where(m1, -1, pos)))
        return cnt1 + n1, cnt0 + (L - n1), last1, last0

    cnt1, cnt0, last1, last0 = lax.fori_loop(
        0, NGROUP, _build,
        (jnp.int32(0), jnp.int32(0), jnp.int32(-1), jnp.int32(-1)))
    pos1_v[pl.ds(cnt1, L)] = jnp.broadcast_to(last1, (L,))
    pos0_v[pl.ds(cnt0, L)] = jnp.broadcast_to(last0, (L,))

    nd = (cnt1 + (L - 1)) // L
    nz = (cnt0 + (L - 1)) // L

    bufs = [buf0, buf1]
    gsems = [sem_g0, sem_g1]
    wsems = [sem_w0, sem_w1]
    last_src = prefix + jnp.maximum(cnt1 - 1, 0)

    def _gather(d, p):
        src = jnp.minimum(prefix + d * L + iota, last_src)
        pltpu.async_copy(w_hbm.at[plsc.Indices(src)], bufs[p], gsems[p])

    @pl.when(nd >= 1)
    def _():
        _gather(0, 0)

    @pl.when(nd >= 2)
    def _():
        _gather(1, 1)

    zvec = jnp.zeros((L,), jnp.float32)

    def _zb(r, carry):
        def _zc(g, inner):
            for u in range(16):
                zbuf[r, pl.ds(g * 256 + u * L, L)] = zvec
            return inner
        return lax.fori_loop(0, D // 256, _zc, carry)

    lax.fori_loop(0, L, _zb, 0)

    def _zfire(d, carry):
        dest = pos0_v[pl.ds(d * L, L)]
        pltpu.async_copy(zbuf, out_hbm.at[plsc.Indices(dest)], sem_zs,
                         priority=1)
        return carry

    lax.fori_loop(0, nz, _zfire, 0)

    def _wait_gather(p):
        pltpu.make_async_copy(w_hbm.at[pl.ds(0, L)], bufs[p], gsems[p]).wait()

    def _wait_scatter(p):
        pltpu.make_async_copy(bufs[p], out_hbm.at[pl.ds(0, L)],
                              wsems[p]).wait()

    def _data(d, carry):
        for p in range(2):
            @pl.when(d % 2 == p)
            def _(p=p):
                @pl.when(jnp.logical_and(d >= 2, d < nd))
                def _():
                    _wait_scatter(p)
                    _gather(d, p)

                @pl.when(d >= 1)
                def _(p=1 - p):
                    _wait_gather(p)
                    dest = pos1_v[pl.ds((d - 1) * L, L)]
                    pltpu.async_copy(bufs[p],
                                     out_hbm.at[plsc.Indices(dest)],
                                     wsems[p])
        return carry

    lax.fori_loop(0, nd + 1, _data, 0)

    @pl.when(nd >= 1)
    def _():
        _wait_scatter(0)

    @pl.when(nd >= 2)
    def _():
        _wait_scatter(1)

    def _zdrain(d, carry):
        pltpu.make_async_copy(w_hbm.at[pl.ds(0, L)], zbuf, sem_zs).wait()
        return carry

    lax.fori_loop(0, nz, _zdrain, 0)


def kernel(w, mask):
    return _recover(w, mask)

# --- scband reference (transcript-rebuilt; emitter-appended) ---
"""Pipeline reference for scband-weight-recover-18966575579206 (READ-ONLY COPY).

The authoritative reference and input builder live on the scoring server;
editing this copy changes nothing except your own understanding.
"""

import jax, jax.numpy as jnp
import numpy as np


def setup_inputs(seed: int = 0) -> dict:
    key = jax.random.key(seed)
    k1, k2 = jax.random.split(key)
    # Compressed (pruned) weight matrix stored on self.module.<name_w>.
    # We allocate full N rows so any realized mask count is in-range.
    w = jax.random.normal(k1, (4096, 2048), dtype=jnp.float32)
    # mask[i] == 1 -> row i of the full matrix is taken from the next
    # compressed row; mask[i] == 0 -> row i is all zeros.
    mask = jax.random.randint(k2, (4096,), 0, 2).astype(jnp.int32)
    return {"w": w, "mask": mask}


def reference(w, mask):
    # Faithful functional translation of WeightRecover._setweights():
    # walk the mask; for each True position copy the next compressed row
    # (pointer j advances), for each False position emit a zero row.
    # The sequential pointer j is exactly cumsum(mask) - 1.
    m = mask.astype(bool)
    idx = jnp.cumsum(mask) - 1
    idx = jnp.clip(idx, 0, w.shape[0] - 1)
    gathered = jnp.take(w, idx, axis=0)
    full = jnp.where(m[:, None], gathered, jnp.zeros_like(gathered))
    # The torch module returns self.module with the recovered Parameter set;
    # the numerical content of that operation is the recovered weight matrix.
    return full

if __name__ == "__main__":
    import jax
    _d = setup_inputs()
    print(jax.jit(kernel)(*tuple(_d.values())))

</pallas_src>

<mosaic_0001>
#map = affine_map<(d0, d1) -> (0, 0)>
#map1 = affine_map<(d0, d1) -> (0)>
module attributes {stable_mosaic.version = 14 : i64} {
  func.func @_recover(%arg0: i32, %arg1: i32, %arg2: memref<4096x2048xf32, #tpu.memory_space<hbm>>, %arg3: memref<4096xi32, #tpu.memory_space<hbm>>, %arg4: memref<4096x2048xf32, #tpu.memory_space<hbm>>, %arg5: memref<4096xi32, #tpu.memory_space<vmem>>, %arg6: memref<144xi32, #tpu.memory_space<vmem>>, %arg7: memref<144xi32, #tpu.memory_space<vmem>>, %arg8: memref<16x2048xf32, #tpu.memory_space<vmem>>, %arg9: memref<16x2048xf32, #tpu.memory_space<vmem>>, %arg10: memref<16x2048xf32, #tpu.memory_space<vmem>>, %arg11: memref<!tpu.dma_semaphore, #tpu.memory_space<semaphore_mem>>, %arg12: memref<!tpu.dma_semaphore, #tpu.memory_space<semaphore_mem>>, %arg13: memref<!tpu.dma_semaphore, #tpu.memory_space<semaphore_mem>>, %arg14: memref<!tpu.dma_semaphore, #tpu.memory_space<semaphore_mem>>, %arg15: memref<!tpu.dma_semaphore, #tpu.memory_space<semaphore_mem>>, %arg16: memref<!tpu.dma_semaphore, #tpu.memory_space<semaphore_mem>>) attributes {dimension_semantics = [#tpu.dimension_semantics<core_parallel>, #tpu.dimension_semantics<subcore_parallel>], iteration_bounds = array<i64: 2, 16>, scalar_prefetch = 0 : i64, scratch_operands = 12 : i64, tpu.core_type = #tpu.core_type<sc_vector_subcore>, window_params = [{transform_indices = #map}, {transform_indices = #map1}, {transform_indices = #map}]} {
    %mul3A = arith.constant 2 : i32
    %mul3A_0 = arith.muli %arg1, %mul3A : i32
    %add3A = arith.addi %mul3A_0, %arg0 : i32
    %mul3A_1 = arith.constant 128 : i32
    %mul3A_2 = arith.muli %add3A, %mul3A_1 : i32
    tpu.enqueue_dma source(%arg3 : memref<4096xi32, #tpu.memory_space<hbm>>) target(%arg5 : memref<4096xi32, #tpu.memory_space<vmem>>) target_semaphore(%arg11 : memref<!tpu.dma_semaphore, #tpu.memory_space<semaphore_mem>>)
    tpu.wait_dma2 semaphore(%arg11 : memref<!tpu.dma_semaphore, #tpu.memory_space<semaphore_mem>>) src(%arg3 : memref<4096xi32, #tpu.memory_space<hbm>>) dst(%arg5 : memref<4096xi32, #tpu.memory_space<vmem>>)
    %broadcast_in_dim3A = arith.constant 0 : i32
    %broadcast_in_dim3A_3 = vector.broadcast %broadcast_in_dim3A : i32 to vector<16xi32>
    %while3A = arith.constant 0 : i32
    %while3A_4 = arith.subi %add3A, %while3A : i32
    %while3A_5 = arith.addi %while3A, %while3A_4 : i32
    %while3A_6 = arith.constant 1 : i32
    %while3A_7 = arith.divsi %while3A_4, %while3A_6 : i32
    %while3A_8 = arith.muli %while3A_7, %while3A_6 : i32
    %while3A_9 = arith.addi %while3A, %while3A_8 : i32
    %while3A_10 = arith.constant 1 : i32
    %while3A_11 = scf.for %while3A_136 = %while3A to %while3A_9 step %while3A_10 iter_args(%while3A_137 = %broadcast_in_dim3A_3) -> (vector<16xi32>)  : i32 {
      %mul3A_138 = arith.constant 8 : i32
      %mul3A_139 = arith.muli %while3A_136, %mul3A_138 : i32
      %add3A_140 = arith.constant 0 : i32
      %add3A_141 = arith.addi %mul3A_139, %add3A_140 : i32
      %mul3A_142 = arith.constant 16 : i32
      %mul3A_143 = arith.muli %add3A_141, %mul3A_142 : i32
      %get3A = arith.index_cast %mul3A_143 : i32 to index
      %get3A_144 = tpu.vector_load %arg5[%get3A] {strides = array<i32>} : memref<4096xi32, #tpu.memory_space<vmem>>, vector<16xi32>,
      %add3A_145 = arith.addi %while3A_137, %get3A_144 : vector<16xi32>
      %mul3A_146 = arith.constant 8 : i32
      %mul3A_147 = arith.muli %while3A_136, %mul3A_146 : i32
      %add3A_148 = arith.constant 1 : i32
      %add3A_149 = arith.addi %mul3A_147, %add3A_148 : i32
      %mul3A_150 = arith.constant 16 : i32
      %mul3A_151 = arith.muli %add3A_149, %mul3A_150 : i32
      %get3A_152 = arith.index_cast %mul3A_151 : i32 to index
      %get3A_153 = tpu.vector_load %arg5[%get3A_152] {strides = array<i32>} : memref<4096xi32, #tpu.memory_space<vmem>>, vector<16xi32>,
      %add3A_154 = arith.addi %add3A_145, %get3A_153 : vector<16xi32>
      %mul3A_155 = arith.constant 8 : i32
      %mul3A_156 = arith.muli %while3A_136, %mul3A_155 : i32
      %add3A_157 = arith.constant 2 : i32
      %add3A_158 = arith.addi %mul3A_156, %add3A_157 : i32
      %mul3A_159 = arith.constant 16 : i32
      %mul3A_160 = arith.muli %add3A_158, %mul3A_159 : i32
      %get3A_161 = arith.index_cast %mul3A_160 : i32 to index
      %get3A_162 = tpu.vector_load %arg5[%get3A_161] {strides = array<i32>} : memref<4096xi32, #tpu.memory_space<vmem>>, vector<16xi32>,
      %add3A_163 = arith.addi %add3A_154, %get3A_162 : vector<16xi32>
      %mul3A_164 = arith.constant 8 : i32
      %mul3A_165 = arith.muli %while3A_136, %mul3A_164 : i32
      %add3A_166 = arith.constant 3 : i32
      %add3A_167 = arith.addi %mul3A_165, %add3A_166 : i32
      %mul3A_168 = arith.constant 16 : i32
      %mul3A_169 = arith.muli %add3A_167, %mul3A_168 : i32
      %get3A_170 = arith.index_cast %mul3A_169 : i32 to index
      %get3A_171 = tpu.vector_load %arg5[%get3A_170] {strides = array<i32>} : memref<4096xi32, #tpu.memory_space<vmem>>, vector<16xi32>,
      %add3A_172 = arith.addi %add3A_163, %get3A_171 : vector<16xi32>
      %mul3A_173 = arith.constant 8 : i32
      %mul3A_174 = arith.muli %while3A_136, %mul3A_173 : i32
      %add3A_175 = arith.constant 4 : i32
      %add3A_176 = arith.addi %mul3A_174, %add3A_175 : i32
      %mul3A_177 = arith.constant 16 : i32
      %mul3A_178 = arith.muli %add3A_176, %mul3A_177 : i32
      %get3A_179 = arith.index_cast %mul3A_178 : i32 to index
      %get3A_180 = tpu.vector_load %arg5[%get3A_179] {strides = array<i32>} : memref<4096xi32, #tpu.memory_space<vmem>>, vector<16xi32>,
      %add3A_181 = arith.addi %add3A_172, %get3A_180 : vector<16xi32>
      %mul3A_182 = arith.constant 8 : i32
      %mul3A_183 = arith.muli %while3A_136, %mul3A_182 : i32
      %add3A_184 = arith.constant 5 : i32
      %add3A_185 = arith.addi %mul3A_183, %add3A_184 : i32
      %mul3A_186 = arith.constant 16 : i32
      %mul3A_187 = arith.muli %add3A_185, %mul3A_186 : i32
      %get3A_188 = arith.index_cast %mul3A_187 : i32 to index
      %get3A_189 = tpu.vector_load %arg5[%get3A_188] {strides = array<i32>} : memref<4096xi32, #tpu.memory_space<vmem>>, vector<16xi32>,
      %add3A_190 = arith.addi %add3A_181, %get3A_189 : vector<16xi32>
      %mul3A_191 = arith.constant 8 : i32
      %mul3A_192 = arith.muli %while3A_136, %mul3A_191 : i32
      %add3A_193 = arith.constant 6 : i32
      %add3A_194 = arith.addi %mul3A_192, %add3A_193 : i32
      %mul3A_195 = arith.constant 16 : i32
      %mul3A_196 = arith.muli %add3A_194, %mul3A_195 : i32
      %get3A_197 = arith.index_cast %mul3A_196 : i32 to index
      %get3A_198 = tpu.vector_load %arg5[%get3A_197] {strides = array<i32>} : memref<4096xi32, #tpu.memory_space<vmem>>, vector<16xi32>,
      %add3A_199 = arith.addi %add3A_190, %get3A_198 : vector<16xi32>
      %mul3A_200 = arith.constant 8 : i32
      %mul3A_201 = arith.muli %while3A_136, %mul3A_200 : i32
      %add3A_202 = arith.constant 7 : i32
      %add3A_203 = arith.addi %mul3A_201, %add3A_202 : i32
      %mul3A_204 = arith.constant 16 : i32
      %mul3A_205 = arith.muli %add3A_203, %mul3A_204 : i32
      %get3A_206 = arith.index_cast %mul3A_205 : i32 to index
      %get3A_207 = tpu.vector_load %arg5[%get3A_206] {strides = array<i32>} : memref<4096xi32, #tpu.memory_space<vmem>>, vector<16xi32>,
      %add3A_208 = arith.addi %add3A_199, %get3A_207 : vector<16xi32>
      scf.yield %add3A_208 : vector<16xi32>
    }
    %while3A_12 = arith.constant 1 : i32
    %while3A_13 = scf.for %while3A_136 = %while3A_9 to %while3A_5 step %while3A_12 iter_args(%while3A_137 = %while3A_11) -> (vector<16xi32>)  : i32 {
      %mul3A_138 = arith.constant 8 : i32
      %mul3A_139 = arith.muli %while3A_136, %mul3A_138 : i32
      %add3A_140 = arith.constant 0 : i32
      %add3A_141 = arith.addi %mul3A_139, %add3A_140 : i32
      %mul3A_142 = arith.constant 16 : i32
      %mul3A_143 = arith.muli %add3A_141, %mul3A_142 : i32
      %get3A = arith.index_cast %mul3A_143 : i32 to index
      %get3A_144 = tpu.vector_load %arg5[%get3A] {strides = array<i32>} : memref<4096xi32, #tpu.memory_space<vmem>>, vector<16xi32>,
      %add3A_145 = arith.addi %while3A_137, %get3A_144 : vector<16xi32>
      %mul3A_146 = arith.constant 8 : i32
      %mul3A_147 = arith.muli %while3A_136, %mul3A_146 : i32
      %add3A_148 = arith.constant 1 : i32
      %add3A_149 = arith.addi %mul3A_147, %add3A_148 : i32
      %mul3A_150 = arith.constant 16 : i32
      %mul3A_151 = arith.muli %add3A_149, %mul3A_150 : i32
      %get3A_152 = arith.index_cast %mul3A_151 : i32 to index
      %get3A_153 = tpu.vector_load %arg5[%get3A_152] {strides = array<i32>} : memref<4096xi32, #tpu.memory_space<vmem>>, vector<16xi32>,
      %add3A_154 = arith.addi %add3A_145, %get3A_153 : vector<16xi32>
      %mul3A_155 = arith.constant 8 : i32
      %mul3A_156 = arith.muli %while3A_136, %mul3A_155 : i32
      %add3A_157 = arith.constant 2 : i32
      %add3A_158 = arith.addi %mul3A_156, %add3A_157 : i32
      %mul3A_159 = arith.constant 16 : i32
      %mul3A_160 = arith.muli %add3A_158, %mul3A_159 : i32
      %get3A_161 = arith.index_cast %mul3A_160 : i32 to index
      %get3A_162 = tpu.vector_load %arg5[%get3A_161] {strides = array<i32>} : memref<4096xi32, #tpu.memory_space<vmem>>, vector<16xi32>,
      %add3A_163 = arith.addi %add3A_154, %get3A_162 : vector<16xi32>
      %mul3A_164 = arith.constant 8 : i32
      %mul3A_165 = arith.muli %while3A_136, %mul3A_164 : i32
      %add3A_166 = arith.constant 3 : i32
      %add3A_167 = arith.addi %mul3A_165, %add3A_166 : i32
      %mul3A_168 = arith.constant 16 : i32
      %mul3A_169 = arith.muli %add3A_167, %mul3A_168 : i32
      %get3A_170 = arith.index_cast %mul3A_169 : i32 to index
      %get3A_171 = tpu.vector_load %arg5[%get3A_170] {strides = array<i32>} : memref<4096xi32, #tpu.memory_space<vmem>>, vector<16xi32>,
      %add3A_172 = arith.addi %add3A_163, %get3A_171 : vector<16xi32>
      %mul3A_173 = arith.constant 8 : i32
      %mul3A_174 = arith.muli %while3A_136, %mul3A_173 : i32
      %add3A_175 = arith.constant 4 : i32
      %add3A_176 = arith.addi %mul3A_174, %add3A_175 : i32
      %mul3A_177 = arith.constant 16 : i32
      %mul3A_178 = arith.muli %add3A_176, %mul3A_177 : i32
      %get3A_179 = arith.index_cast %mul3A_178 : i32 to index
      %get3A_180 = tpu.vector_load %arg5[%get3A_179] {strides = array<i32>} : memref<4096xi32, #tpu.memory_space<vmem>>, vector<16xi32>,
      %add3A_181 = arith.addi %add3A_172, %get3A_180 : vector<16xi32>
      %mul3A_182 = arith.constant 8 : i32
      %mul3A_183 = arith.muli %while3A_136, %mul3A_182 : i32
      %add3A_184 = arith.constant 5 : i32
      %add3A_185 = arith.addi %mul3A_183, %add3A_184 : i32
      %mul3A_186 = arith.constant 16 : i32
      %mul3A_187 = arith.muli %add3A_185, %mul3A_186 : i32
      %get3A_188 = arith.index_cast %mul3A_187 : i32 to index
      %get3A_189 = tpu.vector_load %arg5[%get3A_188] {strides = array<i32>} : memref<4096xi32, #tpu.memory_space<vmem>>, vector<16xi32>,
      %add3A_190 = arith.addi %add3A_181, %get3A_189 : vector<16xi32>
      %mul3A_191 = arith.constant 8 : i32
      %mul3A_192 = arith.muli %while3A_136, %mul3A_191 : i32
      %add3A_193 = arith.constant 6 : i32
      %add3A_194 = arith.addi %mul3A_192, %add3A_193 : i32
      %mul3A_195 = arith.constant 16 : i32
      %mul3A_196 = arith.muli %add3A_194, %mul3A_195 : i32
      %get3A_197 = arith.index_cast %mul3A_196 : i32 to index
      %get3A_198 = tpu.vector_load %arg5[%get3A_197] {strides = array<i32>} : memref<4096xi32, #tpu.memory_space<vmem>>, vector<16xi32>,
      %add3A_199 = arith.addi %add3A_190, %get3A_198 : vector<16xi32>
      %mul3A_200 = arith.constant 8 : i32
      %mul3A_201 = arith.muli %while3A_136, %mul3A_200 : i32
      %add3A_202 = arith.constant 7 : i32
      %add3A_203 = arith.addi %mul3A_201, %add3A_202 : i32
      %mul3A_204 = arith.constant 16 : i32
      %mul3A_205 = arith.muli %add3A_203, %mul3A_204 : i32
      %get3A_206 = arith.index_cast %mul3A_205 : i32 to index
      %get3A_207 = tpu.vector_load %arg5[%get3A_206] {strides = array<i32>} : memref<4096xi32, #tpu.memory_space<vmem>>, vector<16xi32>,
      %add3A_208 = arith.addi %add3A_199, %get3A_207 : vector<16xi32>
      scf.yield %add3A_208 : vector<16xi32>
    }
    %reduce_sum3A = arith.constant true
    %reduce_sum3A_14 = vector.broadcast %reduce_sum3A : i1 to vector<16xi1>
    %reduce_sum3A_15 = tpu.scan <sum>, %while3A_13 masked %reduce_sum3A_14 : vector<16xi32>, vector<16xi1> -> vector<16xi32>
    %reduce_sum3A_16 = vector.extract %reduce_sum3A_15[15] : i32 from vector<16xi32>
    %iota3A = tpu.iota {dimensions = array<i32: 0>} : vector<16xi32>
    %scan3A = arith.constant 0 : i32
    %scan3A_17 = arith.constant 0 : i32
    %scan3A_18 = arith.constant -1 : i32
    %scan3A_19 = arith.constant -1 : i32
    %scan3A_20 = arith.constant 0 : i32
    %scan3A_21 = arith.constant 8 : i32
    %scan3A_22 = arith.addi %scan3A_20, %scan3A_21 : i32
    %scan3A_23 = arith.constant 1 : i32
    %scan3A_24:4 = scf.for %scan3A_136 = %scan3A_20 to %scan3A_22 step %scan3A_23 iter_args(%scan3A_137 = %scan3A, %scan3A_138 = %scan3A_17, %scan3A_139 = %scan3A_18, %scan3A_140 = %scan3A_19) -> (i32, i32, i32, i32)  : i32 {
      %mul3A_141 = arith.constant 16 : i32
      %mul3A_142 = arith.muli %scan3A_136, %mul3A_141 : i32
      %add3A_143 = arith.addi %mul3A_2, %mul3A_142 : i32
      %add3A_144 = vector.broadcast %add3A_143 : i32 to vector<16xi32>
      %add3A_145 = arith.addi %add3A_144, %iota3A : vector<16xi32>
      %mul3A_146 = arith.constant 16 : i32
      %mul3A_147 = arith.muli %scan3A_136, %mul3A_146 : i32
      %add3A_148 = arith.addi %mul3A_2, %mul3A_147 : i32
      %get3A = arith.index_cast %add3A_148 : i32 to index
      %get3A_149 = tpu.vector_load %arg5[%get3A] {strides = array<i32>} : memref<4096xi32, #tpu.memory_space<vmem>>, vector<16xi32>,
      %ne3A_150 = arith.constant 0 : i32
      %ne3A_151 = vector.broadcast %ne3A_150 : i32 to vector<16xi32>
      %ne3A_152 = arith.cmpi ne, %get3A_149, %ne3A_151 : vector<16xi32>
      %reduce_sum3A_153 = arith.constant true
      %reduce_sum3A_154 = vector.broadcast %reduce_sum3A_153 : i1 to vector<16xi1>
      %reduce_sum3A_155 = tpu.scan <sum>, %get3A_149 masked %reduce_sum3A_154 : vector<16xi32>, vector<16xi1> -> vector<16xi32>
      %reduce_sum3A_156 = vector.extract %reduce_sum3A_155[15] : i32 from vector<16xi32>
      %swap3A_157 = arith.index_cast %scan3A_137 : i32 to index
      %swap3A_158 = tpu.vector_load %arg6[%swap3A_157] masked %ne3A_152 {strides = array<i32>} : memref<144xi32, #tpu.memory_space<vmem>>, vector<16xi32>, vector<16xi1>
      tpu.vector_store %arg6[%swap3A_157], %add3A_145 masked %ne3A_152 {strides = array<i32>} : memref<144xi32, #tpu.memory_space<vmem>>, vector<16xi32>, vector<16xi1>
      %not3A = arith.constant dense<true> : vector<16xi1>
      %not3A_159 = arith.xori %ne3A_152, %not3A : vector<16xi1>
      %swap3A_160 = arith.index_cast %scan3A_138 : i32 to index
      %swap3A_161 = tpu.vector_load %arg7[%swap3A_160] masked %not3A_159 {strides = array<i32>} : memref<144xi32, #tpu.memory_space<vmem>>, vector<16xi32>, vector<16xi1>
      tpu.vector_store %arg7[%swap3A_160], %add3A_145 masked %not3A_159 {strides = array<i32>} : memref<144xi32, #tpu.memory_space<vmem>>, vector<16xi32>, vector<16xi1>
      %jit3A_162 = arith.constant -1 : i32
      %broadcast_in_dim3A_163 = vector.broadcast %jit3A_162 : i32 to vector<16xi32>
      %select_n3A_164 = arith.select %ne3A_152, %add3A_145, %broadcast_in_dim3A_163 : vector<16xi1>, vector<16xi32>
      %reduce_max3A = arith.constant true
      %reduce_max3A_165 = vector.broadcast %reduce_max3A : i1 to vector<16xi1>
      %reduce_max3A_166 = arith.constant -2147483648 : i32
      %reduce_max3A_167 = vector.broadcast %reduce_max3A_166 : i32 to vector<16xi32>
      %reduce_max3A_168 = arith.xori %select_n3A_164, %reduce_max3A_167 : vector<16xi32>
      %reduce_max3A_169 = tpu.scan <max>, %reduce_max3A_168 masked %reduce_max3A_165 : vector<16xi32>, vector<16xi1> -> vector<16xi32>
      %reduce_max3A_170 = arith.xori %reduce_max3A_169, %reduce_max3A_167 : vector<16xi32>
      %reduce_max3A_171 = vector.extract %reduce_max3A_170[15] : i32 from vector<16xi32>
      %max3A_172 = arith.maxsi %scan3A_139, %reduce_max3A_171 : i32
      %jit3A_173 = arith.constant -1 : i32
      %broadcast_in_dim3A_174 = vector.broadcast %jit3A_173 : i32 to vector<16xi32>
      %select_n3A_175 = arith.select %ne3A_152, %broadcast_in_dim3A_174, %add3A_145 : vector<16xi1>, vector<16xi32>
      %reduce_max3A_176 = arith.constant true
      %reduce_max3A_177 = vector.broadcast %reduce_max3A_176 : i1 to vector<16xi1>
      %reduce_max3A_178 = arith.constant -2147483648 : i32
      %reduce_max3A_179 = vector.broadcast %reduce_max3A_178 : i32 to vector<16xi32>
      %reduce_max3A_180 = arith.xori %select_n3A_175, %reduce_max3A_179 : vector<16xi32>
      %reduce_max3A_181 = tpu.scan <max>, %reduce_max3A_180 masked %reduce_max3A_177 : vector<16xi32>, vector<16xi1> -> vector<16xi32>
      %reduce_max3A_182 = arith.xori %reduce_max3A_181, %reduce_max3A_179 : vector<16xi32>
      %reduce_max3A_183 = vector.extract %reduce_max3A_182[15] : i32 from vector<16xi32>
      %max3A_184 = arith.maxsi %scan3A_140, %reduce_max3A_183 : i32
      %add3A_185 = arith.addi %scan3A_137, %reduce_sum3A_156 : i32
      %sub3A_186 = arith.constant 16 : i32
      %sub3A_187 = arith.subi %sub3A_186, %reduce_sum3A_156 : i32
      %add3A_188 = arith.addi %scan3A_138, %sub3A_187 : i32
      scf.yield %add3A_185, %add3A_188, %max3A_172, %max3A_184 : i32, i32, i32, i32
    }
    %scan3A_25 = arith.constant 8 : i32
    %broadcast_in_dim3A_26 = vector.broadcast %scan3A_24#2 : i32 to vector<16xi32>
    %swap3A = arith.index_cast %scan3A_24#0 : i32 to index
    %swap3A_27 = tpu.vector_load %arg6[%swap3A] {strides = array<i32>} : memref<144xi32, #tpu.memory_space<vmem>>, vector<16xi32>,
    tpu.vector_store %arg6[%swap3A], %broadcast_in_dim3A_26 {strides = array<i32>} : memref<144xi32, #tpu.memory_space<vmem>>, vector<16xi32>,
    %broadcast_in_dim3A_28 = vector.broadcast %scan3A_24#3 : i32 to vector<16xi32>
    %swap3A_29 = arith.index_cast %scan3A_24#1 : i32 to index
    %swap3A_30 = tpu.vector_load %arg7[%swap3A_29] {strides = array<i32>} : memref<144xi32, #tpu.memory_space<vmem>>, vector<16xi32>,
    tpu.vector_store %arg7[%swap3A_29], %broadcast_in_dim3A_28 {strides = array<i32>} : memref<144xi32, #tpu.memory_space<vmem>>, vector<16xi32>,
    %add3A_31 = arith.constant 15 : i32
    %add3A_32 = arith.addi %scan3A_24#0, %add3A_31 : i32
    %jit3A = arith.constant 16 : i32
    %div3A = arith.divsi %add3A_32, %jit3A : i32
    %sign3A = arith.constant 0 : i32
    %sign3A_33 = arith.cmpi sgt, %add3A_32, %sign3A : i32
    %sign3A_34 = arith.extui %sign3A_33 : i1 to i32
    %sign3A_35 = arith.constant 0 : i32
    %sign3A_36 = arith.cmpi slt, %add3A_32, %sign3A_35 : i32
    %sign3A_37 = arith.extui %sign3A_36 : i1 to i32
    %sign3A_38 = arith.subi %sign3A_34, %sign3A_37 : i32
    %sign3A_39 = arith.constant 0 : i32
    %sign3A_40 = arith.cmpi sgt, %jit3A, %sign3A_39 : i32
    %sign3A_41 = arith.extui %sign3A_40 : i1 to i32
    %sign3A_42 = arith.constant 0 : i32
    %sign3A_43 = arith.cmpi slt, %jit3A, %sign3A_42 : i32
    %sign3A_44 = arith.extui %sign3A_43 : i1 to i32
    %sign3A_45 = arith.subi %sign3A_41, %sign3A_44 : i32
    %ne3A = arith.cmpi ne, %sign3A_38, %sign3A_45 : i32
    %rem3A = arith.remsi %add3A_32, %jit3A : i32
    %ne3A_46 = arith.constant 0 : i32
    %ne3A_47 = arith.cmpi ne, %rem3A, %ne3A_46 : i32
    %and3A = arith.andi %ne3A, %ne3A_47 : i1
    %sub3A = arith.constant 1 : i32
    %sub3A_48 = arith.subi %div3A, %sub3A : i32
    %select_n3A = arith.select %and3A, %sub3A_48, %div3A : i32
    %add3A_49 = arith.constant 15 : i32
    %add3A_50 = arith.addi %scan3A_24#1, %add3A_49 : i32
    %jit3A_51 = arith.constant 16 : i32
    %div3A_52 = arith.divsi %add3A_50, %jit3A_51 : i32
    %sign3A_53 = arith.constant 0 : i32
    %sign3A_54 = arith.cmpi sgt, %add3A_50, %sign3A_53 : i32
    %sign3A_55 = arith.extui %sign3A_54 : i1 to i32
    %sign3A_56 = arith.constant 0 : i32
    %sign3A_57 = arith.cmpi slt, %add3A_50, %sign3A_56 : i32
    %sign3A_58 = arith.extui %sign3A_57 : i1 to i32
    %sign3A_59 = arith.subi %sign3A_55, %sign3A_58 : i32
    %sign3A_60 = arith.constant 0 : i32
    %sign3A_61 = arith.cmpi sgt, %jit3A_51, %sign3A_60 : i32
    %sign3A_62 = arith.extui %sign3A_61 : i1 to i32
    %sign3A_63 = arith.constant 0 : i32
    %sign3A_64 = arith.cmpi slt, %jit3A_51, %sign3A_63 : i32
    %sign3A_65 = arith.extui %sign3A_64 : i1 to i32
    %sign3A_66 = arith.subi %sign3A_62, %sign3A_65 : i32
    %ne3A_67 = arith.cmpi ne, %sign3A_59, %sign3A_66 : i32
    %rem3A_68 = arith.remsi %add3A_50, %jit3A_51 : i32
    %ne3A_69 = arith.constant 0 : i32
    %ne3A_70 = arith.cmpi ne, %rem3A_68, %ne3A_69 : i32
    %and3A_71 = arith.andi %ne3A_67, %ne3A_70 : i1
    %sub3A_72 = arith.constant 1 : i32
    %sub3A_73 = arith.subi %div3A_52, %sub3A_72 : i32
    %select_n3A_74 = arith.select %and3A_71, %sub3A_73, %div3A_52 : i32
    %sub3A_75 = arith.constant 1 : i32
    %sub3A_76 = arith.subi %scan3A_24#0, %sub3A_75 : i32
    %max3A = arith.constant 0 : i32
    %max3A_77 = arith.maxsi %sub3A_76, %max3A : i32
    %add3A_78 = arith.addi %reduce_sum3A_16, %max3A_77 : i32
    %ge3A = arith.constant 1 : i32
    %ge3A_79 = arith.cmpi sge, %select_n3A, %ge3A : i32
    %convert_element_type3A = arith.extui %ge3A_79 : i1 to i32
    %cond3A = arith.constant 0 : i32
    %cond3A_80 = arith.cmpi ne, %convert_element_type3A, %cond3A : i32
    scf.if %cond3A_80 {
      %add3A_136 = arith.constant 0 : i32
      %add3A_137 = arith.addi %reduce_sum3A_16, %add3A_136 : i32
      %add3A_138 = vector.broadcast %add3A_137 : i32 to vector<16xi32>
      %add3A_139 = arith.addi %add3A_138, %iota3A : vector<16xi32>
      %min3A = vector.broadcast %add3A_78 : i32 to vector<16xi32>
      %min3A_140 = arith.minsi %add3A_139, %min3A : vector<16xi32>
      %dma_start3A = arith.constant 0 : i32
      %dma_start3A_141 = arith.constant 0 : i32
      %dma_start3A_142 = tpu.memref_slice %arg2[%dma_start3A, %dma_start3A_141] : memref<4096x2048xf32, #tpu.memory_space<hbm>> -> memref<4096x2048xf32, #tpu.memory_space<hbm>>
      tpu.enqueue_indirect_dma source(%dma_start3A_142 : memref<4096x2048xf32, #tpu.memory_space<hbm>>) target(%arg8 : memref<16x2048xf32, #tpu.memory_space<vmem>>) offsets(%min3A_140 : vector<16xi32>) semaphore(%arg12 : memref<!tpu.dma_semaphore, #tpu.memory_space<semaphore_mem>>)
    } else {
    }
    %ge3A_81 = arith.constant 2 : i32
    %ge3A_82 = arith.cmpi sge, %select_n3A, %ge3A_81 : i32
    %convert_element_type3A_83 = arith.extui %ge3A_82 : i1 to i32
    %cond3A_84 = arith.constant 0 : i32
    %cond3A_85 = arith.cmpi ne, %convert_element_type3A_83, %cond3A_84 : i32
    scf.if %cond3A_85 {
      %add3A_136 = arith.constant 16 : i32
      %add3A_137 = arith.addi %reduce_sum3A_16, %add3A_136 : i32
      %add3A_138 = vector.broadcast %add3A_137 : i32 to vector<16xi32>
      %add3A_139 = arith.addi %add3A_138, %iota3A : vector<16xi32>
      %min3A = vector.broadcast %add3A_78 : i32 to vector<16xi32>
      %min3A_140 = arith.minsi %add3A_139, %min3A : vector<16xi32>
      %dma_start3A = arith.constant 0 : i32
      %dma_start3A_141 = arith.constant 0 : i32
      %dma_start3A_142 = tpu.memref_slice %arg2[%dma_start3A, %dma_start3A_141] : memref<4096x2048xf32, #tpu.memory_space<hbm>> -> memref<4096x2048xf32, #tpu.memory_space<hbm>>
      tpu.enqueue_indirect_dma source(%dma_start3A_142 : memref<4096x2048xf32, #tpu.memory_space<hbm>>) target(%arg9 : memref<16x2048xf32, #tpu.memory_space<vmem>>) offsets(%min3A_140 : vector<16xi32>) semaphore(%arg13 : memref<!tpu.dma_semaphore, #tpu.memory_space<semaphore_mem>>)
    } else {
    }
    %broadcast_in_dim3A_86 = arith.constant 0.000000e+00 : f32
    %broadcast_in_dim3A_87 = vector.broadcast %broadcast_in_dim3A_86 : f32 to vector<16xf32>
    %scan3A_88 = arith.constant 0 : i32
    %scan3A_89 = arith.constant 0 : i32
    %scan3A_90 = arith.constant 16 : i32
    %scan3A_91 = arith.addi %scan3A_89, %scan3A_90 : i32
    %scan3A_92 = arith.constant 1 : i32
    scf.for %scan3A_136 = %scan3A_89 to %scan3A_91 step %scan3A_92  : i32 {
      %scan3A_137 = arith.constant 0 : i32
      %scan3A_138 = arith.constant 8 : i32
      %scan3A_139 = arith.addi %scan3A_137, %scan3A_138 : i32
      %scan3A_140 = arith.constant 1 : i32
      scf.for %scan3A_142 = %scan3A_137 to %scan3A_139 step %scan3A_140  : i32 {
        %mul3A_143 = arith.constant 256 : i32
        %mul3A_144 = arith.muli %scan3A_142, %mul3A_143 : i32
        %add3A_145 = arith.constant 0 : i32
        %add3A_146 = arith.addi %mul3A_144, %add3A_145 : i32
        %swap3A_147 = arith.index_cast %scan3A_136 : i32 to index
        %swap3A_148 = arith.index_cast %add3A_146 : i32 to index
        %swap3A_149 = tpu.vector_load %arg10[%swap3A_147, %swap3A_148] {strides = array<i32>} : memref<16x2048xf32, #tpu.memory_space<vmem>>, vector<16xf32>,
        tpu.vector_store %arg10[%swap3A_147, %swap3A_148], %broadcast_in_dim3A_87 {strides = array<i32>} : memref<16x2048xf32, #tpu.memory_space<vmem>>, vector<16xf32>,
        %mul3A_150 = arith.constant 256 : i32
        %mul3A_151 = arith.muli %scan3A_142, %mul3A_150 : i32
        %add3A_152 = arith.constant 16 : i32
        %add3A_153 = arith.addi %mul3A_151, %add3A_152 : i32
        %swap3A_154 = arith.index_cast %scan3A_136 : i32 to index
        %swap3A_155 = arith.index_cast %add3A_153 : i32 to index
        %swap3A_156 = tpu.vector_load %arg10[%swap3A_154, %swap3A_155] {strides = array<i32>} : memref<16x2048xf32, #tpu.memory_space<vmem>>, vector<16xf32>,
        tpu.vector_store %arg10[%swap3A_154, %swap3A_155], %broadcast_in_dim3A_87 {strides = array<i32>} : memref<16x2048xf32, #tpu.memory_space<vmem>>, vector<16xf32>,
        %mul3A_157 = arith.constant 256 : i32
        %mul3A_158 = arith.muli %scan3A_142, %mul3A_157 : i32
        %add3A_159 = arith.constant 32 : i32
        %add3A_160 = arith.addi %mul3A_158, %add3A_159 : i32
        %swap3A_161 = arith.index_cast %scan3A_136 : i32 to index
        %swap3A_162 = arith.index_cast %add3A_160 : i32 to index
        %swap3A_163 = tpu.vector_load %arg10[%swap3A_161, %swap3A_162] {strides = array<i32>} : memref<16x2048xf32, #tpu.memory_space<vmem>>, vector<16xf32>,
        tpu.vector_store %arg10[%swap3A_161, %swap3A_162], %broadcast_in_dim3A_87 {strides = array<i32>} : memref<16x2048xf32, #tpu.memory_space<vmem>>, vector<16xf32>,
        %mul3A_164 = arith.constant 256 : i32
        %mul3A_165 = arith.muli %scan3A_142, %mul3A_164 : i32
        %add3A_166 = arith.constant 48 : i32
        %add3A_167 = arith.addi %mul3A_165, %add3A_166 : i32
        %swap3A_168 = arith.index_cast %scan3A_136 : i32 to index
        %swap3A_169 = arith.index_cast %add3A_167 : i32 to index
        %swap3A_170 = tpu.vector_load %arg10[%swap3A_168, %swap3A_169] {strides = array<i32>} : memref<16x2048xf32, #tpu.memory_space<vmem>>, vector<16xf32>,
        tpu.vector_store %arg10[%swap3A_168, %swap3A_169], %broadcast_in_dim3A_87 {strides = array<i32>} : memref<16x2048xf32, #tpu.memory_space<vmem>>, vector<16xf32>,
        %mul3A_171 = arith.constant 256 : i32
        %mul3A_172 = arith.muli %scan3A_142, %mul3A_171 : i32
        %add3A_173 = arith.constant 64 : i32
        %add3A_174 = arith.addi %mul3A_172, %add3A_173 : i32
        %swap3A_175 = arith.index_cast %scan3A_136 : i32 to index
        %swap3A_176 = arith.index_cast %add3A_174 : i32 to index
        %swap3A_177 = tpu.vector_load %arg10[%swap3A_175, %swap3A_176] {strides = array<i32>} : memref<16x2048xf32, #tpu.memory_space<vmem>>, vector<16xf32>,
        tpu.vector_store %arg10[%swap3A_175, %swap3A_176], %broadcast_in_dim3A_87 {strides = array<i32>} : memref<16x2048xf32, #tpu.memory_space<vmem>>, vector<16xf32>,
        %mul3A_178 = arith.constant 256 : i32
        %mul3A_179 = arith.muli %scan3A_142, %mul3A_178 : i32
        %add3A_180 = arith.constant 80 : i32
        %add3A_181 = arith.addi %mul3A_179, %add3A_180 : i32
        %swap3A_182 = arith.index_cast %scan3A_136 : i32 to index
        %swap3A_183 = arith.index_cast %add3A_181 : i32 to index
        %swap3A_184 = tpu.vector_load %arg10[%swap3A_182, %swap3A_183] {strides = array<i32>} : memref<16x2048xf32, #tpu.memory_space<vmem>>, vector<16xf32>,
        tpu.vector_store %arg10[%swap3A_182, %swap3A_183], %broadcast_in_dim3A_87 {strides = array<i32>} : memref<16x2048xf32, #tpu.memory_space<vmem>>, vector<16xf32>,
        %mul3A_185 = arith.constant 256 : i32
        %mul3A_186 = arith.muli %scan3A_142, %mul3A_185 : i32
        %add3A_187 = arith.constant 96 : i32
        %add3A_188 = arith.addi %mul3A_186, %add3A_187 : i32
        %swap3A_189 = arith.index_cast %scan3A_136 : i32 to index
        %swap3A_190 = arith.index_cast %add3A_188 : i32 to index
        %swap3A_191 = tpu.vector_load %arg10[%swap3A_189, %swap3A_190] {strides = array<i32>} : memref<16x2048xf32, #tpu.memory_space<vmem>>, vector<16xf32>,
        tpu.vector_store %arg10[%swap3A_189, %swap3A_190], %broadcast_in_dim3A_87 {strides = array<i32>} : memref<16x2048xf32, #tpu.memory_space<vmem>>, vector<16xf32>,
        %mul3A_192 = arith.constant 256 : i32
        %mul3A_193 = arith.muli %scan3A_142, %mul3A_192 : i32
        %add3A_194 = arith.constant 112 : i32
        %add3A_195 = arith.addi %mul3A_193, %add3A_194 : i32
        %swap3A_196 = arith.index_cast %scan3A_136 : i32 to index
        %swap3A_197 = arith.index_cast %add3A_195 : i32 to index
        %swap3A_198 = tpu.vector_load %arg10[%swap3A_196, %swap3A_197] {strides = array<i32>} : memref<16x2048xf32, #tpu.memory_space<vmem>>, vector<16xf32>,
        tpu.vector_store %arg10[%swap3A_196, %swap3A_197], %broadcast_in_dim3A_87 {strides = array<i32>} : memref<16x2048xf32, #tpu.memory_space<vmem>>, vector<16xf32>,
        %mul3A_199 = arith.constant 256 : i32
        %mul3A_200 = arith.muli %scan3A_142, %mul3A_199 : i32
        %add3A_201 = arith.constant 128 : i32
        %add3A_202 = arith.addi %mul3A_200, %add3A_201 : i32
        %swap3A_203 = arith.index_cast %scan3A_136 : i32 to index
        %swap3A_204 = arith.index_cast %add3A_202 : i32 to index
        %swap3A_205 = tpu.vector_load %arg10[%swap3A_203, %swap3A_204] {strides = array<i32>} : memref<16x2048xf32, #tpu.memory_space<vmem>>, vector<16xf32>,
        tpu.vector_store %arg10[%swap3A_203, %swap3A_204], %broadcast_in_dim3A_87 {strides = array<i32>} : memref<16x2048xf32, #tpu.memory_space<vmem>>, vector<16xf32>,
        %mul3A_206 = arith.constant 256 : i32
        %mul3A_207 = arith.muli %scan3A_142, %mul3A_206 : i32
        %add3A_208 = arith.constant 144 : i32
        %add3A_209 = arith.addi %mul3A_207, %add3A_208 : i32
        %swap3A_210 = arith.index_cast %scan3A_136 : i32 to index
        %swap3A_211 = arith.index_cast %add3A_209 : i32 to index
        %swap3A_212 = tpu.vector_load %arg10[%swap3A_210, %swap3A_211] {strides = array<i32>} : memref<16x2048xf32, #tpu.memory_space<vmem>>, vector<16xf32>,
        tpu.vector_store %arg10[%swap3A_210, %swap3A_211], %broadcast_in_dim3A_87 {strides = array<i32>} : memref<16x2048xf32, #tpu.memory_space<vmem>>, vector<16xf32>,
        %mul3A_213 = arith.constant 256 : i32
        %mul3A_214 = arith.muli %scan3A_142, %mul3A_213 : i32
        %add3A_215 = arith.constant 160 : i32
        %add3A_216 = arith.addi %mul3A_214, %add3A_215 : i32
        %swap3A_217 = arith.index_cast %scan3A_136 : i32 to index
        %swap3A_218 = arith.index_cast %add3A_216 : i32 to index
        %swap3A_219 = tpu.vector_load %arg10[%swap3A_217, %swap3A_218] {strides = array<i32>} : memref<16x2048xf32, #tpu.memory_space<vmem>>, vector<16xf32>,
        tpu.vector_store %arg10[%swap3A_217, %swap3A_218], %broadcast_in_dim3A_87 {strides = array<i32>} : memref<16x2048xf32, #tpu.memory_space<vmem>>, vector<16xf32>,
        %mul3A_220 = arith.constant 256 : i32
        %mul3A_221 = arith.muli %scan3A_142, %mul3A_220 : i32
        %add3A_222 = arith.constant 176 : i32
        %add3A_223 = arith.addi %mul3A_221, %add3A_222 : i32
        %swap3A_224 = arith.index_cast %scan3A_136 : i32 to index
        %swap3A_225 = arith.index_cast %add3A_223 : i32 to index
        %swap3A_226 = tpu.vector_load %arg10[%swap3A_224, %swap3A_225] {strides = array<i32>} : memref<16x2048xf32, #tpu.memory_space<vmem>>, vector<16xf32>,
        tpu.vector_store %arg10[%swap3A_224, %swap3A_225], %broadcast_in_dim3A_87 {strides = array<i32>} : memref<16x2048xf32, #tpu.memory_space<vmem>>, vector<16xf32>,
        %mul3A_227 = arith.constant 256 : i32
        %mul3A_228 = arith.muli %scan3A_142, %mul3A_227 : i32
        %add3A_229 = arith.constant 192 : i32
        %add3A_230 = arith.addi %mul3A_228, %add3A_229 : i32
        %swap3A_231 = arith.index_cast %scan3A_136 : i32 to index
        %swap3A_232 = arith.index_cast %add3A_230 : i32 to index
        %swap3A_233 = tpu.vector_load %arg10[%swap3A_231, %swap3A_232] {strides = array<i32>} : memref<16x2048xf32, #tpu.memory_space<vmem>>, vector<16xf32>,
        tpu.vector_store %arg10[%swap3A_231, %swap3A_232], %broadcast_in_dim3A_87 {strides = array<i32>} : memref<16x2048xf32, #tpu.memory_space<vmem>>, vector<16xf32>,
        %mul3A_234 = arith.constant 256 : i32
        %mul3A_235 = arith.muli %scan3A_142, %mul3A_234 : i32
        %add3A_236 = arith.constant 208 : i32
        %add3A_237 = arith.addi %mul3A_235, %add3A_236 : i32
        %swap3A_238 = arith.index_cast %scan3A_136 : i32 to index
        %swap3A_239 = arith.index_cast %add3A_237 : i32 to index
        %swap3A_240 = tpu.vector_load %arg10[%swap3A_238, %swap3A_239] {strides = array<i32>} : memref<16x2048xf32, #tpu.memory_space<vmem>>, vector<16xf32>,
        tpu.vector_store %arg10[%swap3A_238, %swap3A_239], %broadcast_in_dim3A_87 {strides = array<i32>} : memref<16x2048xf32, #tpu.memory_space<vmem>>, vector<16xf32>,
        %mul3A_241 = arith.constant 256 : i32
        %mul3A_242 = arith.muli %scan3A_142, %mul3A_241 : i32
        %add3A_243 = arith.constant 224 : i32
        %add3A_244 = arith.addi %mul3A_242, %add3A_243 : i32
        %swap3A_245 = arith.index_cast %scan3A_136 : i32 to index
        %swap3A_246 = arith.index_cast %add3A_244 : i32 to index
        %swap3A_247 = tpu.vector_load %arg10[%swap3A_245, %swap3A_246] {strides = array<i32>} : memref<16x2048xf32, #tpu.memory_space<vmem>>, vector<16xf32>,
        tpu.vector_store %arg10[%swap3A_245, %swap3A_246], %broadcast_in_dim3A_87 {strides = array<i32>} : memref<16x2048xf32, #tpu.memory_space<vmem>>, vector<16xf32>,
        %mul3A_248 = arith.constant 256 : i32
        %mul3A_249 = arith.muli %scan3A_142, %mul3A_248 : i32
        %add3A_250 = arith.constant 240 : i32
        %add3A_251 = arith.addi %mul3A_249, %add3A_250 : i32
        %swap3A_252 = arith.index_cast %scan3A_136 : i32 to index
        %swap3A_253 = arith.index_cast %add3A_251 : i32 to index
        %swap3A_254 = tpu.vector_load %arg10[%swap3A_252, %swap3A_253] {strides = array<i32>} : memref<16x2048xf32, #tpu.memory_space<vmem>>, vector<16xf32>,
        tpu.vector_store %arg10[%swap3A_252, %swap3A_253], %broadcast_in_dim3A_87 {strides = array<i32>} : memref<16x2048xf32, #tpu.memory_space<vmem>>, vector<16xf32>,
      }
      %scan3A_141 = arith.constant 8 : i32
    }
    %scan3A_93 = arith.constant 16 : i32
    %while3A_94 = arith.constant 0 : i32
    %while3A_95 = arith.constant 0 : i32
    %while3A_96 = arith.subi %select_n3A_74, %while3A_95 : i32
    %while3A_97 = arith.addi %while3A_95, %while3A_96 : i32
    %while3A_98 = arith.constant 1 : i32
    %while3A_99 = arith.divsi %while3A_96, %while3A_98 : i32
    %while3A_100 = arith.muli %while3A_99, %while3A_98 : i32
    %while3A_101 = arith.addi %while3A_95, %while3A_100 : i32
    %while3A_102 = arith.constant 1 : i32
    scf.for %while3A_136 = %while3A_95 to %while3A_101 step %while3A_102  : i32 {
      %mul3A_137 = arith.constant 16 : i32
      %mul3A_138 = arith.muli %while3A_136, %mul3A_137 : i32
      %get3A = arith.index_cast %mul3A_138 : i32 to index
      %get3A_139 = tpu.vector_load %arg7[%get3A] {strides = array<i32>} : memref<144xi32, #tpu.memory_space<vmem>>, vector<16xi32>,
      %dma_start3A = arith.constant 0 : i32
      %dma_start3A_140 = arith.constant 0 : i32
      %dma_start3A_141 = tpu.memref_slice %arg4[%dma_start3A, %dma_start3A_140] : memref<4096x2048xf32, #tpu.memory_space<hbm>> -> memref<4096x2048xf32, #tpu.memory_space<hbm>>
      tpu.enqueue_indirect_dma source(%arg10 : memref<16x2048xf32, #tpu.memory_space<vmem>>) target(%dma_start3A_141 : memref<4096x2048xf32, #tpu.memory_space<hbm>>) offsets(%get3A_139 : vector<16xi32>) semaphore(%arg16 : memref<!tpu.dma_semaphore, #tpu.memory_space<semaphore_mem>>)
    }
    %while3A_103 = arith.constant 1 : i32
    scf.for %while3A_136 = %while3A_101 to %while3A_97 step %while3A_103  : i32 {
      %mul3A_137 = arith.constant 16 : i32
      %mul3A_138 = arith.muli %while3A_136, %mul3A_137 : i32
      %get3A = arith.index_cast %mul3A_138 : i32 to index
      %get3A_139 = tpu.vector_load %arg7[%get3A] {strides = array<i32>} : memref<144xi32, #tpu.memory_space<vmem>>, vector<16xi32>,
      %dma_start3A = arith.constant 0 : i32
      %dma_start3A_140 = arith.constant 0 : i32
      %dma_start3A_141 = tpu.memref_slice %arg4[%dma_start3A, %dma_start3A_140] : memref<4096x2048xf32, #tpu.memory_space<hbm>> -> memref<4096x2048xf32, #tpu.memory_space<hbm>>
      tpu.enqueue_indirect_dma source(%arg10 : memref<16x2048xf32, #tpu.memory_space<vmem>>) target(%dma_start3A_141 : memref<4096x2048xf32, #tpu.memory_space<hbm>>) offsets(%get3A_139 : vector<16xi32>) semaphore(%arg16 : memref<!tpu.dma_semaphore, #tpu.memory_space<semaphore_mem>>)
    }
    %add3A_104 = arith.constant 1 : i32
    %add3A_105 = arith.addi %select_n3A, %add3A_104 : i32
    %while3A_106 = arith.constant 0 : i32
    %while3A_107 = arith.constant 0 : i32
    %while3A_108 = arith.subi %add3A_105, %while3A_107 : i32
    %while3A_109 = arith.addi %while3A_107, %while3A_108 : i32
    %while3A_110 = arith.constant 1 : i32
    %while3A_111 = arith.divsi %while3A_108, %while3A_110 : i32
    %while3A_112 = arith.muli %while3A_111, %while3A_110 : i32
    %while3A_113 = arith.addi %while3A_107, %while3A_112 : i32
    %while3A_114 = arith.constant 1 : i32
    scf.for %while3A_136 = %while3A_107 to %while3A_113 step %while3A_114  : i32 {
      %jit3A_137 = arith.constant 2 : i32
      %eq3A = arith.constant 0 : i32
      %eq3A_138 = arith.cmpi eq, %jit3A_137, %eq3A : i32
      %jit3A_139 = arith.constant 1 : i32
      %select_n3A_140 = arith.select %eq3A_138, %jit3A_139, %jit3A_137 : i32
      %rem3A_141 = arith.remsi %while3A_136, %select_n3A_140 : i32
      %ne3A_142 = arith.constant 0 : i32
      %ne3A_143 = arith.cmpi ne, %rem3A_141, %ne3A_142 : i32
      %lt3A = arith.constant 0 : i32
      %lt3A_144 = arith.cmpi slt, %rem3A_141, %lt3A : i32
      %lt3A_145 = arith.constant 0 : i32
      %lt3A_146 = arith.cmpi slt, %select_n3A_140, %lt3A_145 : i32
      %ne3A_147 = arith.xori %lt3A_144, %lt3A_146 : i1
      %and3A_148 = arith.andi %ne3A_147, %ne3A_143 : i1
      %add3A_149 = arith.addi %rem3A_141, %select_n3A_140 : i32
      %select_n3A_150 = arith.select %and3A_148, %add3A_149, %rem3A_141 : i32
      %eq3A_151 = arith.constant 0 : i32
      %eq3A_152 = arith.cmpi eq, %select_n3A_150, %eq3A_151 : i32
      %convert_element_type3A_153 = arith.extui %eq3A_152 : i1 to i32
      %cond3A_154 = arith.constant 0 : i32
      %cond3A_155 = arith.cmpi ne, %convert_element_type3A_153, %cond3A_154 : i32
      scf.if %cond3A_155 {
        %ge3A_177 = arith.constant 2 : i32
        %ge3A_178 = arith.cmpi sge, %while3A_136, %ge3A_177 : i32
        %lt3A_179 = arith.cmpi slt, %while3A_136, %select_n3A : i32
        %and3A_180 = arith.andi %ge3A_178, %lt3A_179 : i1
        %convert_element_type3A_181 = arith.extui %and3A_180 : i1 to i32
        %cond3A_182 = arith.constant 0 : i32
        %cond3A_183 = arith.cmpi ne, %convert_element_type3A_181, %cond3A_182 : i32
        scf.if %cond3A_183 {
          %dma_wait3A = arith.constant 0 : i32
          %dma_wait3A_189 = arith.constant 0 : i32
          %dma_wait3A_190 = tpu.memref_slice %arg4[%dma_wait3A, %dma_wait3A_189] : memref<4096x2048xf32, #tpu.memory_space<hbm>> -> memref<16x2048xf32, #tpu.memory_space<hbm>>
          %dma_wait3A_191 = arith.constant 0 : i32
          %dma_wait3A_192 = arith.constant 0 : i32
          %dma_wait3A_193 = tpu.memref_slice %arg4[%dma_wait3A_191, %dma_wait3A_192] : memref<4096x2048xf32, #tpu.memory_space<hbm>> -> memref<16x2048xf32, #tpu.memory_space<hbm>>
          tpu.wait_dma2 semaphore(%arg14 : memref<!tpu.dma_semaphore, #tpu.memory_space<semaphore_mem>>) src(%arg8 : memref<16x2048xf32, #tpu.memory_space<vmem>>) dst(%dma_wait3A_193 : memref<16x2048xf32, #tpu.memory_space<hbm>>)
          %mul3A_194 = arith.constant 16 : i32
          %mul3A_195 = arith.muli %while3A_136, %mul3A_194 : i32
          %add3A_196 = arith.addi %reduce_sum3A_16, %mul3A_195 : i32
          %add3A_197 = vector.broadcast %add3A_196 : i32 to vector<16xi32>
          %add3A_198 = arith.addi %add3A_197, %iota3A : vector<16xi32>
          %min3A = vector.broadcast %add3A_78 : i32 to vector<16xi32>
          %min3A_199 = arith.minsi %add3A_198, %min3A : vector<16xi32>
          %dma_start3A = arith.constant 0 : i32
          %dma_start3A_200 = arith.constant 0 : i32
          %dma_start3A_201 = tpu.memref_slice %arg2[%dma_start3A, %dma_start3A_200] : memref<4096x2048xf32, #tpu.memory_space<hbm>> -> memref<4096x2048xf32, #tpu.memory_space<hbm>>
          tpu.enqueue_indirect_dma source(%dma_start3A_201 : memref<4096x2048xf32, #tpu.memory_space<hbm>>) target(%arg8 : memref<16x2048xf32, #tpu.memory_space<vmem>>) offsets(%min3A_199 : vector<16xi32>) semaphore(%arg12 : memref<!tpu.dma_semaphore, #tpu.memory_space<semaphore_mem>>)
        } else {
        }
        %ge3A_184 = arith.constant 1 : i32
        %ge3A_185 = arith.cmpi sge, %while3A_136, %ge3A_184 : i32
        %convert_element_type3A_186 = arith.extui %ge3A_185 : i1 to i32
        %cond3A_187 = arith.constant 0 : i32
        %cond3A_188 = arith.cmpi ne, %convert_element_type3A_186, %cond3A_187 : i32
        scf.if %cond3A_188 {
          %dma_wait3A = arith.constant 0 : i32
          %dma_wait3A_189 = arith.constant 0 : i32
          %dma_wait3A_190 = tpu.memref_slice %arg2[%dma_wait3A, %dma_wait3A_189] : memref<4096x2048xf32, #tpu.memory_space<hbm>> -> memref<16x2048xf32, #tpu.memory_space<hbm>>
          %dma_wait3A_191 = arith.constant 0 : i32
          %dma_wait3A_192 = arith.constant 0 : i32
          %dma_wait3A_193 = tpu.memref_slice %arg2[%dma_wait3A_191, %dma_wait3A_192] : memref<4096x2048xf32, #tpu.memory_space<hbm>> -> memref<16x2048xf32, #tpu.memory_space<hbm>>
          tpu.wait_dma2 semaphore(%arg13 : memref<!tpu.dma_semaphore, #tpu.memory_space<semaphore_mem>>) src(%dma_wait3A_193 : memref<16x2048xf32, #tpu.memory_space<hbm>>) dst(%arg9 : memref<16x2048xf32, #tpu.memory_space<vmem>>)
          %sub3A_194 = arith.constant 1 : i32
          %sub3A_195 = arith.subi %while3A_136, %sub3A_194 : i32
          %mul3A_196 = arith.constant 16 : i32
          %mul3A_197 = arith.muli %sub3A_195, %mul3A_196 : i32
          %get3A = arith.index_cast %mul3A_197 : i32 to index
          %get3A_198 = tpu.vector_load %arg6[%get3A] {strides = array<i32>} : memref<144xi32, #tpu.memory_space<vmem>>, vector<16xi32>,
          %dma_start3A = arith.constant 0 : i32
          %dma_start3A_199 = arith.constant 0 : i32
          %dma_start3A_200 = tpu.memref_slice %arg4[%dma_start3A, %dma_start3A_199] : memref<4096x2048xf32, #tpu.memory_space<hbm>> -> memref<4096x2048xf32, #tpu.memory_space<hbm>>
          tpu.enqueue_indirect_dma source(%arg9 : memref<16x2048xf32, #tpu.memory_space<vmem>>) target(%dma_start3A_200 : memref<4096x2048xf32, #tpu.memory_space<hbm>>) offsets(%get3A_198 : vector<16xi32>) semaphore(%arg15 : memref<!tpu.dma_semaphore, #tpu.memory_space<semaphore_mem>>)
        } else {
        }
      } else {
      }
      %jit3A_156 = arith.constant 2 : i32
      %eq3A_157 = arith.constant 0 : i32
      %eq3A_158 = arith.cmpi eq, %jit3A_156, %eq3A_157 : i32
      %jit3A_159 = arith.constant 1 : i32
      %select_n3A_160 = arith.select %eq3A_158, %jit3A_159, %jit3A_156 : i32
      %rem3A_161 = arith.remsi %while3A_136, %select_n3A_160 : i32
      %ne3A_162 = arith.constant 0 : i32
      %ne3A_163 = arith.cmpi ne, %rem3A_161, %ne3A_162 : i32
      %lt3A_164 = arith.constant 0 : i32
      %lt3A_165 = arith.cmpi slt, %rem3A_161, %lt3A_164 : i32
      %lt3A_166 = arith.constant 0 : i32
      %lt3A_167 = arith.cmpi slt, %select_n3A_160, %lt3A_166 : i32
      %ne3A_168 = arith.xori %lt3A_165, %lt3A_167 : i1
      %and3A_169 = arith.andi %ne3A_168, %ne3A_163 : i1
      %add3A_170 = arith.addi %rem3A_161, %select_n3A_160 : i32
      %select_n3A_171 = arith.select %and3A_169, %add3A_170, %rem3A_161 : i32
      %eq3A_172 = arith.constant 1 : i32
      %eq3A_173 = arith.cmpi eq, %select_n3A_171, %eq3A_172 : i32
      %convert_element_type3A_174 = arith.extui %eq3A_173 : i1 to i32
      %cond3A_175 = arith.constant 0 : i32
      %cond3A_176 = arith.cmpi ne, %convert_element_type3A_174, %cond3A_175 : i32
      scf.if %cond3A_176 {
        %ge3A_177 = arith.constant 2 : i32
        %ge3A_178 = arith.cmpi sge, %while3A_136, %ge3A_177 : i32
        %lt3A_179 = arith.cmpi slt, %while3A_136, %select_n3A : i32
        %and3A_180 = arith.andi %ge3A_178, %lt3A_179 : i1
        %convert_element_type3A_181 = arith.extui %and3A_180 : i1 to i32
        %cond3A_182 = arith.constant 0 : i32
        %cond3A_183 = arith.cmpi ne, %convert_element_type3A_181, %cond3A_182 : i32
        scf.if %cond3A_183 {
          %dma_wait3A = arith.constant 0 : i32
          %dma_wait3A_189 = arith.constant 0 : i32
          %dma_wait3A_190 = tpu.memref_slice %arg4[%dma_wait3A, %dma_wait3A_189] : memref<4096x2048xf32, #tpu.memory_space<hbm>> -> memref<16x2048xf32, #tpu.memory_space<hbm>>
          %dma_wait3A_191 = arith.constant 0 : i32
          %dma_wait3A_192 = arith.constant 0 : i32
          %dma_wait3A_193 = tpu.memref_slice %arg4[%dma_wait3A_191, %dma_wait3A_192] : memref<4096x2048xf32, #tpu.memory_space<hbm>> -> memref<16x2048xf32, #tpu.memory_space<hbm>>
          tpu.wait_dma2 semaphore(%arg15 : memref<!tpu.dma_semaphore, #tpu.memory_space<semaphore_mem>>) src(%arg9 : memref<16x2048xf32, #tpu.memory_space<vmem>>) dst(%dma_wait3A_193 : memref<16x2048xf32, #tpu.memory_space<hbm>>)
          %mul3A_194 = arith.constant 16 : i32
          %mul3A_195 = arith.muli %while3A_136, %mul3A_194 : i32
          %add3A_196 = arith.addi %reduce_sum3A_16, %mul3A_195 : i32
          %add3A_197 = vector.broadcast %add3A_196 : i32 to vector<16xi32>
          %add3A_198 = arith.addi %add3A_197, %iota3A : vector<16xi32>
          %min3A = vector.broadcast %add3A_78 : i32 to vector<16xi32>
          %min3A_199 = arith.minsi %add3A_198, %min3A : vector<16xi32>
          %dma_start3A = arith.constant 0 : i32
          %dma_start3A_200 = arith.constant 0 : i32
          %dma_start3A_201 = tpu.memref_slice %arg2[%dma_start3A, %dma_start3A_200] : memref<4096x2048xf32, #tpu.memory_space<hbm>> -> memref<4096x2048xf32, #tpu.memory_space<hbm>>
          tpu.enqueue_indirect_dma source(%dma_start3A_201 : memref<4096x2048xf32, #tpu.memory_space<hbm>>) target(%arg9 : memref<16x2048xf32, #tpu.memory_space<vmem>>) offsets(%min3A_199 : vector<16xi32>) semaphore(%arg13 : memref<!tpu.dma_semaphore, #tpu.memory_space<semaphore_mem>>)
        } else {
        }
        %ge3A_184 = arith.constant 1 : i32
        %ge3A_185 = arith.cmpi sge, %while3A_136, %ge3A_184 : i32
        %convert_element_type3A_186 = arith.extui %ge3A_185 : i1 to i32
        %cond3A_187 = arith.constant 0 : i32
        %cond3A_188 = arith.cmpi ne, %convert_element_type3A_186, %cond3A_187 : i32
        scf.if %cond3A_188 {
          %dma_wait3A = arith.constant 0 : i32
          %dma_wait3A_189 = arith.constant 0 : i32
          %dma_wait3A_190 = tpu.memref_slice %arg2[%dma_wait3A, %dma_wait3A_189] : memref<4096x2048xf32, #tpu.memory_space<hbm>> -> memref<16x2048xf32, #tpu.memory_space<hbm>>
          %dma_wait3A_191 = arith.constant 0 : i32
          %dma_wait3A_192 = arith.constant 0 : i32
          %dma_wait3A_193 = tpu.memref_slice %arg2[%dma_wait3A_191, %dma_wait3A_192] : memref<4096x2048xf32, #tpu.memory_space<hbm>> -> memref<16x2048xf32, #tpu.memory_space<hbm>>
          tpu.wait_dma2 semaphore(%arg12 : memref<!tpu.dma_semaphore, #tpu.memory_space<semaphore_mem>>) src(%dma_wait3A_193 : memref<16x2048xf32, #tpu.memory_space<hbm>>) dst(%arg8 : memref<16x2048xf32, #tpu.memory_space<vmem>>)
          %sub3A_194 = arith.constant 1 : i32
          %sub3A_195 = arith.subi %while3A_136, %sub3A_194 : i32
          %mul3A_196 = arith.constant 16 : i32
          %mul3A_197 = arith.muli %sub3A_195, %mul3A_196 : i32
          %get3A = arith.index_cast %mul3A_197 : i32 to index
          %get3A_198 = tpu.vector_load %arg6[%get3A] {strides = array<i32>} : memref<144xi32, #tpu.memory_space<vmem>>, vector<16xi32>,
          %dma_start3A = arith.constant 0 : i32
          %dma_start3A_199 = arith.constant 0 : i32
          %dma_start3A_200 = tpu.memref_slice %arg4[%dma_start3A, %dma_start3A_199] : memref<4096x2048xf32, #tpu.memory_space<hbm>> -> memref<4096x2048xf32, #tpu.memory_space<hbm>>
          tpu.enqueue_indirect_dma source(%arg8 : memref<16x2048xf32, #tpu.memory_space<vmem>>) target(%dma_start3A_200 : memref<4096x2048xf32, #tpu.memory_space<hbm>>) offsets(%get3A_198 : vector<16xi32>) semaphore(%arg14 : memref<!tpu.dma_semaphore, #tpu.memory_space<semaphore_mem>>)
        } else {
        }
      } else {
      }
    }
    %while3A_115 = arith.constant 1 : i32
    scf.for %while3A_136 = %while3A_113 to %while3A_109 step %while3A_115  : i32 {
      %jit3A_137 = arith.constant 2 : i32
      %eq3A = arith.constant 0 : i32
      %eq3A_138 = arith.cmpi eq, %jit3A_137, %eq3A : i32
      %jit3A_139 = arith.constant 1 : i32
      %select_n3A_140 = arith.select %eq3A_138, %jit3A_139, %jit3A_137 : i32
      %rem3A_141 = arith.remsi %while3A_136, %select_n3A_140 : i32
      %ne3A_142 = arith.constant 0 : i32
      %ne3A_143 = arith.cmpi ne, %rem3A_141, %ne3A_142 : i32
      %lt3A = arith.constant 0 : i32
      %lt3A_144 = arith.cmpi slt, %rem3A_141, %lt3A : i32
      %lt3A_145 = arith.constant 0 : i32
      %lt3A_146 = arith.cmpi slt, %select_n3A_140, %lt3A_145 : i32
      %ne3A_147 = arith.xori %lt3A_144, %lt3A_146 : i1
      %and3A_148 = arith.andi %ne3A_147, %ne3A_143 : i1
      %add3A_149 = arith.addi %rem3A_141, %select_n3A_140 : i32
      %select_n3A_150 = arith.select %and3A_148, %add3A_149, %rem3A_141 : i32
      %eq3A_151 = arith.constant 0 : i32
      %eq3A_152 = arith.cmpi eq, %select_n3A_150, %eq3A_151 : i32
      %convert_element_type3A_153 = arith.extui %eq3A_152 : i1 to i32
      %cond3A_154 = arith.constant 0 : i32
      %cond3A_155 = arith.cmpi ne, %convert_element_type3A_153, %cond3A_154 : i32
      scf.if %cond3A_155 {
        %ge3A_177 = arith.constant 2 : i32
        %ge3A_178 = arith.cmpi sge, %while3A_136, %ge3A_177 : i32
        %lt3A_179 = arith.cmpi slt, %while3A_136, %select_n3A : i32
        %and3A_180 = arith.andi %ge3A_178, %lt3A_179 : i1
        %convert_element_type3A_181 = arith.extui %and3A_180 : i1 to i32
        %cond3A_182 = arith.constant 0 : i32
        %cond3A_183 = arith.cmpi ne, %convert_element_type3A_181, %cond3A_182 : i32
        scf.if %cond3A_183 {
          %dma_wait3A = arith.constant 0 : i32
          %dma_wait3A_189 = arith.constant 0 : i32
          %dma_wait3A_190 = tpu.memref_slice %arg4[%dma_wait3A, %dma_wait3A_189] : memref<4096x2048xf32, #tpu.memory_space<hbm>> -> memref<16x2048xf32, #tpu.memory_space<hbm>>
          %dma_wait3A_191 = arith.constant 0 : i32
          %dma_wait3A_192 = arith.constant 0 : i32
          %dma_wait3A_193 = tpu.memref_slice %arg4[%dma_wait3A_191, %dma_wait3A_192] : memref<4096x2048xf32, #tpu.memory_space<hbm>> -> memref<16x2048xf32, #tpu.memory_space<hbm>>
          tpu.wait_dma2 semaphore(%arg14 : memref<!tpu.dma_semaphore, #tpu.memory_space<semaphore_mem>>) src(%arg8 : memref<16x2048xf32, #tpu.memory_space<vmem>>) dst(%dma_wait3A_193 : memref<16x2048xf32, #tpu.memory_space<hbm>>)
          %mul3A_194 = arith.constant 16 : i32
          %mul3A_195 = arith.muli %while3A_136, %mul3A_194 : i32
          %add3A_196 = arith.addi %reduce_sum3A_16, %mul3A_195 : i32
          %add3A_197 = vector.broadcast %add3A_196 : i32 to vector<16xi32>
          %add3A_198 = arith.addi %add3A_197, %iota3A : vector<16xi32>
          %min3A = vector.broadcast %add3A_78 : i32 to vector<16xi32>
          %min3A_199 = arith.minsi %add3A_198, %min3A : vector<16xi32>
          %dma_start3A = arith.constant 0 : i32
          %dma_start3A_200 = arith.constant 0 : i32
          %dma_start3A_201 = tpu.memref_slice %arg2[%dma_start3A, %dma_start3A_200] : memref<4096x2048xf32, #tpu.memory_space<hbm>> -> memref<4096x2048xf32, #tpu.memory_space<hbm>>
          tpu.enqueue_indirect_dma source(%dma_start3A_201 : memref<4096x2048xf32, #tpu.memory_space<hbm>>) target(%arg8 : memref<16x2048xf32, #tpu.memory_space<vmem>>) offsets(%min3A_199 : vector<16xi32>) semaphore(%arg12 : memref<!tpu.dma_semaphore, #tpu.memory_space<semaphore_mem>>)
        } else {
        }
        %ge3A_184 = arith.constant 1 : i32
        %ge3A_185 = arith.cmpi sge, %while3A_136, %ge3A_184 : i32
        %convert_element_type3A_186 = arith.extui %ge3A_185 : i1 to i32
        %cond3A_187 = arith.constant 0 : i32
        %cond3A_188 = arith.cmpi ne, %convert_element_type3A_186, %cond3A_187 : i32
        scf.if %cond3A_188 {
          %dma_wait3A = arith.constant 0 : i32
          %dma_wait3A_189 = arith.constant 0 : i32
          %dma_wait3A_190 = tpu.memref_slice %arg2[%dma_wait3A, %dma_wait3A_189] : memref<4096x2048xf32, #tpu.memory_space<hbm>> -> memref<16x2048xf32, #tpu.memory_space<hbm>>
          %dma_wait3A_191 = arith.constant 0 : i32
          %dma_wait3A_192 = arith.constant 0 : i32
          %dma_wait3A_193 = tpu.memref_slice %arg2[%dma_wait3A_191, %dma_wait3A_192] : memref<4096x2048xf32, #tpu.memory_space<hbm>> -> memref<16x2048xf32, #tpu.memory_space<hbm>>
          tpu.wait_dma2 semaphore(%arg13 : memref<!tpu.dma_semaphore, #tpu.memory_space<semaphore_mem>>) src(%dma_wait3A_193 : memref<16x2048xf32, #tpu.memory_space<hbm>>) dst(%arg9 : memref<16x2048xf32, #tpu.memory_space<vmem>>)
          %sub3A_194 = arith.constant 1 : i32
          %sub3A_195 = arith.subi %while3A_136, %sub3A_194 : i32
          %mul3A_196 = arith.constant 16 : i32
          %mul3A_197 = arith.muli %sub3A_195, %mul3A_196 : i32
          %get3A = arith.index_cast %mul3A_197 : i32 to index
          %get3A_198 = tpu.vector_load %arg6[%get3A] {strides = array<i32>} : memref<144xi32, #tpu.memory_space<vmem>>, vector<16xi32>,
          %dma_start3A = arith.constant 0 : i32
          %dma_start3A_199 = arith.constant 0 : i32
          %dma_start3A_200 = tpu.memref_slice %arg4[%dma_start3A, %dma_start3A_199] : memref<4096x2048xf32, #tpu.memory_space<hbm>> -> memref<4096x2048xf32, #tpu.memory_space<hbm>>
          tpu.enqueue_indirect_dma source(%arg9 : memref<16x2048xf32, #tpu.memory_space<vmem>>) target(%dma_start3A_200 : memref<4096x2048xf32, #tpu.memory_space<hbm>>) offsets(%get3A_198 : vector<16xi32>) semaphore(%arg15 : memref<!tpu.dma_semaphore, #tpu.memory_space<semaphore_mem>>)
        } else {
        }
      } else {
      }
      %jit3A_156 = arith.constant 2 : i32
      %eq3A_157 = arith.constant 0 : i32
      %eq3A_158 = arith.cmpi eq, %jit3A_156, %eq3A_157 : i32
      %jit3A_159 = arith.constant 1 : i32
      %select_n3A_160 = arith.select %eq3A_158, %jit3A_159, %jit3A_156 : i32
      %rem3A_161 = arith.remsi %while3A_136, %select_n3A_160 : i32
      %ne3A_162 = arith.constant 0 : i32
      %ne3A_163 = arith.cmpi ne, %rem3A_161, %ne3A_162 : i32
      %lt3A_164 = arith.constant 0 : i32
      %lt3A_165 = arith.cmpi slt, %rem3A_161, %lt3A_164 : i32
      %lt3A_166 = arith.constant 0 : i32
      %lt3A_167 = arith.cmpi slt, %select_n3A_160, %lt3A_166 : i32
      %ne3A_168 = arith.xori %lt3A_165, %lt3A_167 : i1
      %and3A_169 = arith.andi %ne3A_168, %ne3A_163 : i1
      %add3A_170 = arith.addi %rem3A_161, %select_n3A_160 : i32
      %select_n3A_171 = arith.select %and3A_169, %add3A_170, %rem3A_161 : i32
      %eq3A_172 = arith.constant 1 : i32
      %eq3A_173 = arith.cmpi eq, %select_n3A_171, %eq3A_172 : i32
      %convert_element_type3A_174 = arith.extui %eq3A_173 : i1 to i32
      %cond3A_175 = arith.constant 0 : i32
      %cond3A_176 = arith.cmpi ne, %convert_element_type3A_174, %cond3A_175 : i32
      scf.if %cond3A_176 {
        %ge3A_177 = arith.constant 2 : i32
        %ge3A_178 = arith.cmpi sge, %while3A_136, %ge3A_177 : i32
        %lt3A_179 = arith.cmpi slt, %while3A_136, %select_n3A : i32
        %and3A_180 = arith.andi %ge3A_178, %lt3A_179 : i1
        %convert_element_type3A_181 = arith.extui %and3A_180 : i1 to i32
        %cond3A_182 = arith.constant 0 : i32
        %cond3A_183 = arith.cmpi ne, %convert_element_type3A_181, %cond3A_182 : i32
        scf.if %cond3A_183 {
          %dma_wait3A = arith.constant 0 : i32
          %dma_wait3A_189 = arith.constant 0 : i32
          %dma_wait3A_190 = tpu.memref_slice %arg4[%dma_wait3A, %dma_wait3A_189] : memref<4096x2048xf32, #tpu.memory_space<hbm>> -> memref<16x2048xf32, #tpu.memory_space<hbm>>
          %dma_wait3A_191 = arith.constant 0 : i32
          %dma_wait3A_192 = arith.constant 0 : i32
          %dma_wait3A_193 = tpu.memref_slice %arg4[%dma_wait3A_191, %dma_wait3A_192] : memref<4096x2048xf32, #tpu.memory_space<hbm>> -> memref<16x2048xf32, #tpu.memory_space<hbm>>
          tpu.wait_dma2 semaphore(%arg15 : memref<!tpu.dma_semaphore, #tpu.memory_space<semaphore_mem>>) src(%arg9 : memref<16x2048xf32, #tpu.memory_space<vmem>>) dst(%dma_wait3A_193 : memref<16x2048xf32, #tpu.memory_space<hbm>>)
          %mul3A_194 = arith.constant 16 : i32
          %mul3A_195 = arith.muli %while3A_136, %mul3A_194 : i32
          %add3A_196 = arith.addi %reduce_sum3A_16, %mul3A_195 : i32
          %add3A_197 = vector.broadcast %add3A_196 : i32 to vector<16xi32>
          %add3A_198 = arith.addi %add3A_197, %iota3A : vector<16xi32>
          %min3A = vector.broadcast %add3A_78 : i32 to vector<16xi32>
          %min3A_199 = arith.minsi %add3A_198, %min3A : vector<16xi32>
          %dma_start3A = arith.constant 0 : i32
          %dma_start3A_200 = arith.constant 0 : i32
          %dma_start3A_201 = tpu.memref_slice %arg2[%dma_start3A, %dma_start3A_200] : memref<4096x2048xf32, #tpu.memory_space<hbm>> -> memref<4096x2048xf32, #tpu.memory_space<hbm>>
          tpu.enqueue_indirect_dma source(%dma_start3A_201 : memref<4096x2048xf32, #tpu.memory_space<hbm>>) target(%arg9 : memref<16x2048xf32, #tpu.memory_space<vmem>>) offsets(%min3A_199 : vector<16xi32>) semaphore(%arg13 : memref<!tpu.dma_semaphore, #tpu.memory_space<semaphore_mem>>)
        } else {
        }
        %ge3A_184 = arith.constant 1 : i32
        %ge3A_185 = arith.cmpi sge, %while3A_136, %ge3A_184 : i32
        %convert_element_type3A_186 = arith.extui %ge3A_185 : i1 to i32
        %cond3A_187 = arith.constant 0 : i32
        %cond3A_188 = arith.cmpi ne, %convert_element_type3A_186, %cond3A_187 : i32
        scf.if %cond3A_188 {
          %dma_wait3A = arith.constant 0 : i32
          %dma_wait3A_189 = arith.constant 0 : i32
          %dma_wait3A_190 = tpu.memref_slice %arg2[%dma_wait3A, %dma_wait3A_189] : memref<4096x2048xf32, #tpu.memory_space<hbm>> -> memref<16x2048xf32, #tpu.memory_space<hbm>>
          %dma_wait3A_191 = arith.constant 0 : i32
          %dma_wait3A_192 = arith.constant 0 : i32
          %dma_wait3A_193 = tpu.memref_slice %arg2[%dma_wait3A_191, %dma_wait3A_192] : memref<4096x2048xf32, #tpu.memory_space<hbm>> -> memref<16x2048xf32, #tpu.memory_space<hbm>>
          tpu.wait_dma2 semaphore(%arg12 : memref<!tpu.dma_semaphore, #tpu.memory_space<semaphore_mem>>) src(%dma_wait3A_193 : memref<16x2048xf32, #tpu.memory_space<hbm>>) dst(%arg8 : memref<16x2048xf32, #tpu.memory_space<vmem>>)
          %sub3A_194 = arith.constant 1 : i32
          %sub3A_195 = arith.subi %while3A_136, %sub3A_194 : i32
          %mul3A_196 = arith.constant 16 : i32
          %mul3A_197 = arith.muli %sub3A_195, %mul3A_196 : i32
          %get3A = arith.index_cast %mul3A_197 : i32 to index
          %get3A_198 = tpu.vector_load %arg6[%get3A] {strides = array<i32>} : memref<144xi32, #tpu.memory_space<vmem>>, vector<16xi32>,
          %dma_start3A = arith.constant 0 : i32
          %dma_start3A_199 = arith.constant 0 : i32
          %dma_start3A_200 = tpu.memref_slice %arg4[%dma_start3A, %dma_start3A_199] : memref<4096x2048xf32, #tpu.memory_space<hbm>> -> memref<4096x2048xf32, #tpu.memory_space<hbm>>
          tpu.enqueue_indirect_dma source(%arg8 : memref<16x2048xf32, #tpu.memory_space<vmem>>) target(%dma_start3A_200 : memref<4096x2048xf32, #tpu.memory_space<hbm>>) offsets(%get3A_198 : vector<16xi32>) semaphore(%arg14 : memref<!tpu.dma_semaphore, #tpu.memory_space<semaphore_mem>>)
        } else {
        }
      } else {
      }
    }
    %ge3A_116 = arith.constant 1 : i32
    %ge3A_117 = arith.cmpi sge, %select_n3A, %ge3A_116 : i32
    %convert_element_type3A_118 = arith.extui %ge3A_117 : i1 to i32
    %cond3A_119 = arith.constant 0 : i32
    %cond3A_120 = arith.cmpi ne, %convert_element_type3A_118, %cond3A_119 : i32
    scf.if %cond3A_120 {
      %dma_wait3A = arith.constant 0 : i32
      %dma_wait3A_136 = arith.constant 0 : i32
      %dma_wait3A_137 = tpu.memref_slice %arg4[%dma_wait3A, %dma_wait3A_136] : memref<4096x2048xf32, #tpu.memory_space<hbm>> -> memref<16x2048xf32, #tpu.memory_space<hbm>>
      %dma_wait3A_138 = arith.constant 0 : i32
      %dma_wait3A_139 = arith.constant 0 : i32
      %dma_wait3A_140 = tpu.memref_slice %arg4[%dma_wait3A_138, %dma_wait3A_139] : memref<4096x2048xf32, #tpu.memory_space<hbm>> -> memref<16x2048xf32, #tpu.memory_space<hbm>>
      tpu.wait_dma2 semaphore(%arg14 : memref<!tpu.dma_semaphore, #tpu.memory_space<semaphore_mem>>) src(%arg8 : memref<16x2048xf32, #tpu.memory_space<vmem>>) dst(%dma_wait3A_140 : memref<16x2048xf32, #tpu.memory_space<hbm>>)
    } else {
    }
    %ge3A_121 = arith.constant 2 : i32
    %ge3A_122 = arith.cmpi sge, %select_n3A, %ge3A_121 : i32
    %convert_element_type3A_123 = arith.extui %ge3A_122 : i1 to i32
    %cond3A_124 = arith.constant 0 : i32
    %cond3A_125 = arith.cmpi ne, %convert_element_type3A_123, %cond3A_124 : i32
    scf.if %cond3A_125 {
      %dma_wait3A = arith.constant 0 : i32
      %dma_wait3A_136 = arith.constant 0 : i32
      %dma_wait3A_137 = tpu.memref_slice %arg4[%dma_wait3A, %dma_wait3A_136] : memref<4096x2048xf32, #tpu.memory_space<hbm>> -> memref<16x2048xf32, #tpu.memory_space<hbm>>
      %dma_wait3A_138 = arith.constant 0 : i32
      %dma_wait3A_139 = arith.constant 0 : i32
      %dma_wait3A_140 = tpu.memref_slice %arg4[%dma_wait3A_138, %dma_wait3A_139] : memref<4096x2048xf32, #tpu.memory_space<hbm>> -> memref<16x2048xf32, #tpu.memory_space<hbm>>
      tpu.wait_dma2 semaphore(%arg15 : memref<!tpu.dma_semaphore, #tpu.memory_space<semaphore_mem>>) src(%arg9 : memref<16x2048xf32, #tpu.memory_space<vmem>>) dst(%dma_wait3A_140 : memref<16x2048xf32, #tpu.memory_space<hbm>>)
    } else {
    }
    %while3A_126 = arith.constant 0 : i32
    %while3A_127 = arith.constant 0 : i32
    %while3A_128 = arith.subi %select_n3A_74, %while3A_127 : i32
    %while3A_129 = arith.addi %while3A_127, %while3A_128 : i32
    %while3A_130 = arith.constant 1 : i32
    %while3A_131 = arith.divsi %while3A_128, %while3A_130 : i32
    %while3A_132 = arith.muli %while3A_131, %while3A_130 : i32
    %while3A_133 = arith.addi %while3A_127, %while3A_132 : i32
    %while3A_134 = arith.constant 1 : i32
    scf.for %while3A_136 = %while3A_127 to %while3A_133 step %while3A_134  : i32 {
      %dma_wait3A = arith.constant 0 : i32
      %dma_wait3A_137 = arith.constant 0 : i32
      %dma_wait3A_138 = tpu.memref_slice %arg2[%dma_wait3A, %dma_wait3A_137] : memref<4096x2048xf32, #tpu.memory_space<hbm>> -> memref<16x2048xf32, #tpu.memory_space<hbm>>
      %dma_wait3A_139 = arith.constant 0 : i32
      %dma_wait3A_140 = arith.constant 0 : i32
      %dma_wait3A_141 = tpu.memref_slice %arg2[%dma_wait3A_139, %dma_wait3A_140] : memref<4096x2048xf32, #tpu.memory_space<hbm>> -> memref<16x2048xf32, #tpu.memory_space<hbm>>
      tpu.wait_dma2 semaphore(%arg16 : memref<!tpu.dma_semaphore, #tpu.memory_space<semaphore_mem>>) src(%dma_wait3A_141 : memref<16x2048xf32, #tpu.memory_space<hbm>>) dst(%arg10 : memref<16x2048xf32, #tpu.memory_space<vmem>>)
    }
    %while3A_135 = arith.constant 1 : i32
    scf.for %while3A_136 = %while3A_133 to %while3A_129 step %while3A_135  : i32 {
      %dma_wait3A = arith.constant 0 : i32
      %dma_wait3A_137 = arith.constant 0 : i32
      %dma_wait3A_138 = tpu.memref_slice %arg2[%dma_wait3A, %dma_wait3A_137] : memref<4096x2048xf32, #tpu.memory_space<hbm>> -> memref<16x2048xf32, #tpu.memory_space<hbm>>
      %dma_wait3A_139 = arith.constant 0 : i32
      %dma_wait3A_140 = arith.constant 0 : i32
      %dma_wait3A_141 = tpu.memref_slice %arg2[%dma_wait3A_139, %dma_wait3A_140] : memref<4096x2048xf32, #tpu.memory_space<hbm>> -> memref<16x2048xf32, #tpu.memory_space<hbm>>
      tpu.wait_dma2 semaphore(%arg16 : memref<!tpu.dma_semaphore, #tpu.memory_space<semaphore_mem>>) src(%dma_wait3A_141 : memref<16x2048xf32, #tpu.memory_space<hbm>>) dst(%arg10 : memref<16x2048xf32, #tpu.memory_space<vmem>>)
    }
    return
  }
}

</mosaic_0001>

<sc_bundles>
// kernel: kernel.3.cloned.1.call-start
scs
__scs_entry_jumppad:
0x0: {  	(pc) =	sbr.rel $0x88, $3  }
0x1: {  	(tag) =	ssettag $0x0;
	lr =	simm.s32 $0x1  }
0x2: {  	[smem:$0x3F9F] =	sst lr;
	_ =	strace $0xD0000000  }
0x3: {  	_ = 	snop  }
0x4: {  	_ = 	snop  }
0x5: {  	_ = 	snop  }
0x6: {  	_ = 	snop  }
0x7: {  	_ = 	snop  }
__scs_overlays_trampoline_lowered:
0x8: {  	[smem:$0x3FAE] =	sst s0  }
0x9: {  	[smem:$0x3FAF] =	sst s1  }
0xa: {  	[smem:$0x3FB0] =	sst s2  }
0xb: {  	[smem:$0x3FB1] =	sst s3  }
0xc: {  	[smem:$0x3FB2] =	sst s4  }
0xd: {  	[smem:$0x3FB3] =	sst s5  }
0xe: {  	[smem:$0x3FB4] =	sst s6  }
0xf: {  	[smem:$0x3FB5] =	sst s7  }
0x10: {  	[smem:$0x3FB6] =	sst s8  }
0x11: {  	[smem:$0x3FB7] =	sst s9;
	s0 =	simm.s32 @!p0 $0x0  }
0x12: {  	s1 =	sld [smem:$0x3F9D];
	s0 =	simm.s32 @p0 $0x1  }
0x13: {  	[smem:$0x3FB8] =	sst s0;
	s0 =	simm.s32 @!p1 $0x0  }
0x14: {  	s2 =	sld [smem:$0x3F9C];
	s0 =	simm.s32 @p1 $0x1  }
0x15: {  	[smem:$0x3FB9] =	sst s0;
	s0 =	simm.s32 @!p2 $0x0  }
0x16: {  	s3 =	sld [smem:$0x3FDB];
	s0 =	simm.s32 @p2 $0x1  }
0x17: {  	s4 =	simm.s32 $0x1BF5;
	[smem:$0x3FBB] =	sst s0  }
0x18: {  	s0 =	sld [smem:$0x3F9E];
	_ =	swait.ge [sflag:s4], $0x0  }
0x19: {  	s7 =	sld [smem:$0x3F9F]  }
0x1a: {  	s8 =	sadd.s32 $0xFFFFE003, lr  }
0x1b: {  	s9 =	sadd.s32 $0xFFFFFEF7, lr;
	s5 =	simm.s32 $0xFFFFFFFF;
	p2 =	slt.u32 s8, $0xFFFFF086  }
0x1c: {  	p1 =	slt.u32 s9, $0xF7A;
	s5 =	simm.s32 @!p2 $0x0  }
0x1d: {  	s5 =	simm.s32 @p1 $0x1;
	p0 =	seq.s32 s7, s2  }
0x1e: {  	s7 =	smul.u32 @!p0 $0xF7A, s2;
	p2 =	seq.s32 @!p0 s5, $0x0  }
0x1f: {  	s9 =	smul.u32 $0xF7A, s1;
	s8 =	simm.s32 @!p0 $0x1BF5;
	p2 =	por !p2, p0  }
0x20: {  	[sflag:s8] =	ssyncset.s32 @!p0 $0xFFFFF086;
	s6 =	sadd.s32 @!p0 s3, s7;
	s7 =	simm.s32 @!p0 $0x108  }
0x21: {  	s3 =	sadd.s32 s3, s9;
	s6 =	sadd.s32 @!p0 $0x88, s6;
	s7 =	simm.s32 @p2 $0x1082  }
0x22: {  	[simem:s7], [sflag:s8] =	dma.local @!p0 [hbm:s6], $0xF7A  }
0x23: {  	s9 =	sor.u32 $0xD0000000, s2;
	s6 =	simm.s32 $0x108;
	_ =	swait.ge @!p0 [sflag:s8], $0x0  }
0x24: {  	s3 =	sadd.s32 $0x88, s3;
	s6 =	simm.s32 @!p1 $0x1082;
	[sflag:s4] =	ssyncset.s32 $0xFFFFF086  }
0x25: {  	[simem:s6], [sflag:s4] =	dma.local [hbm:s3], $0xF7A  }
0x26: {  	[smem:$0x3F9F] =	sst s1;
	(tag) =	ssettag s2;
	_ =	strace s9  }
0x27: {  	s1 =	sld [smem:$0x3FAF]  }
0x28: {  	s2 =	sld [smem:$0x3FB0]  }
0x29: {  	s4 =	sld [smem:$0x3FB2]  }
0x2a: {  	p0 =	seq.s32 s5, $0x0;
	s5 =	sld [smem:$0x3FB3]  }
0x2b: {  	s6 =	sld [smem:$0x3FB4]  }
0x2c: {  	s7 =	sld [smem:$0x3FB5]  }
0x2d: {  	s3 =	simm.s32 $0x108;
	s8 =	sld [smem:$0x3FB6]  }
0x2e: {  	s3 =	simm.s32 @!p0 $0x1082;
	s9 =	sld [smem:$0x3FB7]  }
0x2f: {  	lr =	sadd.s32 s0, s3;
	s0 =	sld [smem:$0x3FAE]  }
0x30: {  	s3 =	sld [smem:$0x3FB1]  }
0x31: {  	[smem:$0x3FBA] =	sst s10  }
0x32: {  	s10 =	sld [smem:$0x3FB8];
	_ =	sdelay $0x3  }
0x33: {  	p0 =	seq.s32 s10, $0x1;
	s10 =	sld [smem:$0x3FBA];
	_ =	sdelay $0x3  }
0x34: {  	[smem:$0x3FBA] =	sst s10  }
0x35: {  	s10 =	sld [smem:$0x3FB9];
	_ =	sdelay $0x3  }
0x36: {  	p1 =	seq.s32 s10, $0x1;
	s10 =	sld [smem:$0x3FBA];
	_ =	sdelay $0x3  }
0x37: {  	[smem:$0x3FBA] =	sst s10  }
0x38: {  	s10 =	sld [smem:$0x3FBB]  }
0x39: {  	_ = 	snop;
	(pc) =	sbr.ind lr, $3  }
0x3a: {  	_ = 	snop  }
0x3b: {  	_ = 	snop  }
0x3c: {  	p2 =	seq.s32 s10, $0x1;
	s10 =	sld [smem:$0x3FBA]  }
0x3d: {  	_ =	shalt  }
0x3e: {  	_ =	shalt  }
0x3f: {  	_ =	shalt  }
0x40: {  	_ =	shalt  }
0x41: {  	_ =	shalt  }
0x42: {  	_ =	shalt  }
0x43: {  	_ =	shalt  }
0x44: {  	_ =	shalt  }
0x45: {  	_ =	shalt  }
0x46: {  	_ =	shalt  }
0x47: {  	_ =	shalt  }
0x48: {  	_ =	shalt  }
0x49: {  	_ =	shalt  }
0x4a: {  	_ =	shalt  }
0x4b: {  	_ =	shalt  }
0x4c: {  	_ =	shalt  }
0x4d: {  	_ =	shalt  }
0x4e: {  	_ =	shalt  }
0x4f: {  	_ =	shalt  }
0x50: {  	_ =	shalt  }
0x51: {  	_ =	shalt  }
0x52: {  	_ =	shalt  }
0x53: {  	_ =	shalt  }
0x54: {  	_ =	shalt  }
0x55: {  	_ =	shalt  }
0x56: {  	_ =	shalt  }
0x57: {  	_ =	shalt  }
0x58: {  	_ =	shalt  }
0x59: {  	_ =	shalt  }
0x5a: {  	_ =	shalt  }
0x5b: {  	_ =	shalt  }
0x5c: {  	_ =	shalt  }
0x5d: {  	_ =	shalt  }
0x5e: {  	_ =	shalt  }
0x5f: {  	_ =	shalt  }
0x60: {  	_ =	shalt  }
0x61: {  	_ =	shalt  }
0x62: {  	_ =	shalt  }
0x63: {  	_ =	shalt  }
0x64: {  	_ =	shalt  }
0x65: {  	_ =	shalt  }
0x66: {  	_ =	shalt  }
0x67: {  	_ =	shalt  }
0x68: {  	_ =	shalt  }
0x69: {  	_ =	shalt  }
0x6a: {  	_ =	shalt  }
0x6b: {  	_ =	shalt  }
0x6c: {  	_ =	shalt  }
0x6d: {  	_ =	shalt  }
0x6e: {  	_ =	shalt  }
0x6f: {  	_ =	shalt  }
0x70: {  	_ =	shalt  }
0x71: {  	_ =	shalt  }
0x72: {  	_ =	shalt  }
0x73: {  	_ =	shalt  }
0x74: {  	_ =	shalt  }
0x75: {  	_ =	shalt  }
0x76: {  	_ =	shalt  }
0x77: {  	_ =	shalt  }
0x78: {  	_ =	shalt  }
0x79: {  	_ =	shalt  }
0x7a: {  	_ =	shalt  }
0x7b: {  	_ =	shalt  }
0x7c: {  	_ =	shalt  }
0x7d: {  	_ =	shalt  }
0x7e: {  	_ =	shalt  }
0x7f: {  	_ =	shalt  }
0x80: {  	_ =	shalt  }
0x81: {  	_ =	shalt  }
0x82: {  	_ =	shalt  }
0x83: {  	_ =	shalt  }
0x84: {  	_ =	shalt  }
0x85: {  	_ =	shalt  }
0x86: {  	_ =	shalt  }
0x87: {  	_ =	shalt  }
.Lfunc_end0:
.L_simem_size_0:
called_computation_lowered:
.L_overlay_start_0:
0x88: {  	s2 =	sld [smem:$0x3FD9]  }
0x89: {  	s3 =	sld [smem:$0x3FFE];
	_ =	sdelay $0x1  }
0x8a: {  	s1 =	srdreg.scid  }
0x8b: {  	s0 =	sand.u32 $0x1, s1  }
0x8c: {  	s18 =	sshll.u32 s0, $0xA;
	s2 =	sadd.s32 s3, s2  }
0x8d: {  	s2 =	sadd.s32 s2, s18  }
0x8e: {  	[smem:$0x3FC6] =	sst s2  }
0x8f: {  	_ = 	snop  }
0x90: {  	s2 =	sld [smem:$0x3FC9]  }
0x91: {  	s19 =	sld [smem:$0x3FC8]  }
0x92: {  	s4 =	sld [smem:$0x3FD0];
	(tm) =	ssettm $0x1  }
0x93: {  	s5 =	sld [smem:$0x3FFB];
	_ =	sdelay $0x3  }
0x94: {  	_ =	strace s5  }
0x95: {  	s5 =	sld [smem:$0x3FFC];
	_ =	sdelay $0x3  }
0x96: {  	_ =	strace s5  }
0x97: {  	s5 =	sld [smem:$0x3FFD];
	_ =	sdelay $0x3  }
0x98: {  	_ =	strace s5  }
0x99: {  	_ =	strace $0x8FFFFFFF  }
0x9a: {  	s20 =	sld [smem:$0x3FDB];
	_ =	sdelay $0x1  }
0x9b: {  	s6 =	simm.s32 $_scs_section_size  }
0x9c: {  	s7 =	simm.s32 $_size__tile_overlayer_lowered;
	s8 =	simm.s32 $_tile_overlayer_lowered  }
0x9d: {  	s23 =	simm.s32 $0x1BFF;
	s22 =	sshll.u32 s8, $0x1;
	s5 =	sadd.s32 s6, s20  }
0x9e: {  	s9 =	simm.s32 $0x0;
	s21 =	sshll.u32 s7, $0x1;
	s7 =	sadd.s32 s22, s5  }
0x9f: {  	[timem:s9], [sflag:s23] =	dma.local [hbm:s7], s21  }
0xa0: {  	_ =	swait.ge [sflag:s23], s21  }
0xa1: {  	s6 =	ssub.s32 $0x0, s21;
	[sflag:s23] =	ssyncset.done $0x0  }
0xa2: {  	[sflag:s23] =	ssyncadd.s32 s6;
	_ =	sdelay $0x1  }
0xa3: {  	s24 =	simm.s32 $0x1B8B  }
0xa4: {  	_ =	swait.ge [sflag:s24], $0x1  }
0xa5: {  	[sflag:s24] =	ssyncset.done $0x0  }
0xa6: {  	s25 =	simm.s32 $0x1B8E;
	[sflag:s24] =	ssyncadd.s32 $0xFFFFFFFF  }
0xa7: {  	s26 =	simm.s32 $execute0_lowered;
	[smem:$0x3FD2] =	sst s25  }
0xa8: {  	s6 =	sshll.u32 s26, $0x1;
	_ =	strace $0x80000046;
	[dreg:$0x1] =	wrdreg $0xFFFFFFFF  }
0xa9: {  	s28 =	simm.s32 $_size_execute0_lowered;
	s5 =	sadd.s32 s5, s6;
	[dreg:$0x0] =	wrdreg $0x0  }
0xaa: {  	s6 =	sshll.u32 s28, $0x1;
	[dreg:$0x2] =	wrdreg s5  }
0xab: {  	[dreg:$0x3] =	wrdreg s6  }
0xac: {  	[dreg:$0x4] =	wrdreg $0xC0  }
0xad: {  	_ =	task [dreg:s9], $0x5FFFF  }
0xae: {  	[dreg:$0x1] =	wrdreg $0xFFFFFFFF  }
0xaf: {  	[dreg:$0x0] =	wrdreg $0x60  }
0xb0: {  	[dreg:$0x2] =	wrdreg s2  }
0xb1: {  	[dreg:$0x3] =	wrdreg s19  }
0xb2: {  	[dreg:$0x4] =	wrdreg s4  }
0xb3: {  	[dreg:$0x5] =	wrdreg $0x9  }
0xb4: {  	_ =	task.clear_ibuf [dreg:s9], $0x6FFFF;
	_ =	strace $0x90000046  }
0xb5: {  	s29 =	simm.s32 $0x9;
	_ =	strace $0x80000048  }
0xb6: {  	_ =	swait.ge [sflag:s29], $0x1  }
0xb7: {  	[sflag:s29] =	ssyncadd.s32 $0xFFFFFFFF  }
0xb8: {  	_ =	strace $0x90000048  }
0xb9: {  	_ =	sfence  }
0xba: {  	s30 =	sld [smem:$0x0];
	_ =	sdelay $0x2  }
0xbb: {  	s31 =	sshll.u32 s1, $0xD;
	s1 =	sshrl.u32 s1, $0x2  }
0xbc: {  	s3 =	sand.u32 $0x4000, s31;
	s1 =	sadd.s32 s1, s30  }
0xbd: {  	s0 =	sor.u32 s3, s0;
	s1 =	sshll.u32 s1, $0x11  }
0xbe: {  	s0 =	sor.u32 s1, s0  }
0xbf: {  	s0 =	sadd.s32 $0x8F2B, s0  }
0xc0: {  	[sflag:s0] =	ssyncadd.remote.s32 $0x1  }
0xc1: {  	_ =	sfence.sel $0xFFFF  }
0xc2: {  	[dreg:$0x0] =	wrdreg $0xFFFFFFFF;
	(pc) =	sbr.abs _section_cstart, $3  }
0xc3: {  	[dreg:$0x1] =	wrdreg $0xFFFFFFFF  }
0xc4: {  	_ =	task.clear_ibuf [dreg:s9], $0x2FFFF;
	_ =	strace $0x9FFFFFFF  }
0xc5: {  	(tm) =	ssettm $0x7FFFFFFF  }
tec
execute0_lowered:
.L_overlay_start_1:
0x0: {  	(tag) =	ssettag $0x1  }
0x1: {  	s5 =	rddreg [dreg:$0x0]  }
0x2: {  	s0 =	srdreg.scid;
	s4 =	rddreg [dreg:$0x2]  }
0x3: {  	s6 =	stileid.u32;
	_ =	strace $0x80000047;
	s31 =	simm.s32 $0x13200  }
0x4: {  	s9 =	simm.s32 $0x0;
	s0 =	sand.u32 $0x1, s0;
	s3 =	sshll.u32 s6, $0x1  }
0x5: {  	s19 =	sadd.s32 $0x100, s5;
	s20 =	sadd.s32 $0x200, s5;
	s21 =	sadd.s32 $0x300, s5  }
0x6: {  	s22 =	sadd.s32 $0x400, s5;
	s23 =	sadd.s32 $0x500, s5;
	s24 =	sadd.s32 $0x600, s5  }
0x7: {  	s25 =	sadd.s32 $0x700, s5;
	s13 =	sadd.s32 $0x100, s4;
	[dreg:$0x5] =	wrdreg s19  }
0x8: {  	s14 =	sadd.s32 $0x200, s4;
	s15 =	sadd.s32 $0x300, s4;
	[dreg:$0x6] =	wrdreg s20  }
0x9: {  	s16 =	sadd.s32 $0x400, s4;
	s17 =	sadd.s32 $0x500, s4;
	[dreg:$0x7] =	wrdreg s21  }
0xa: {  	s18 =	sadd.s32 $0x600, s4;
	s26 =	sshll.u32 s6, $0xA;
	[dreg:$0x8] =	wrdreg s22  }
0xb: {  	s30 =	sshll.u32 s6, $0x8;
	s5 =	simm.s32 $0x15A00;
	[dreg:$0x9] =	wrdreg s23  }
0xc: {  	s6 =	simm.s32 $0x18A00;
	s1 =	ssub.s32 $0x2, s0;
	[dreg:$0xa] =	wrdreg s24  }
0xd: {  	s7 =	sor.u32 s0, s3;
	[dreg:$0xb] =	wrdreg s25;
	s28 =	sshll.u32 s0, $0x9  }
0xe: {  	s19 =	sadd.s32 $0x700, s4;
	s0 =	sshll.u32 s0, $0x7;
	s22 =	simm.s32 $0x0  }
0xf: {  	s3 =	simm.s32 $0x14A00;
	s20 =	simm.s32 $0x15200;
	s23 =	simm.s32 $0x16200  }
0x10: {  	s21 =	simm.s32 $0x16A00;
	s24 =	simm.s32 $0x17200;
	s25 =	simm.s32 $0x17A00  }
.Ltmp0:
0x11: {  	s2 =	sshrl.u32 s1, $0x1;
	s29 =	sor.u32 s28, s26;
	(pc) =	sbr.rel .LBB2_1-.Ltmp0, $4  }
0x12: {  	s0 =	sor.u32 s0, s30;
	[dreg:$0x4] =	wrdreg s7;
	p0 =	seq.s32 s7, $0x0  }
0x13: {  	v0 =	vlaneseq.u32;
	vm0 =	vmmov $0xffff;
	v6 =	vimm.f32 $0.0e+00;
	s7 =	simm.s32 $0x6;
	s1 =	ssub.s32 s1, s2;
	s8 =	sshrl.u32 s29, $0x2  }
0x14: {  	v4 =	vshrl.u32 v0, $0x3;
	v2 =	vor.u32 $0x80000000, v0;
	v3 =	vand.u32 $0x7, v0;
	[dreg:$0xd] =	wrdreg s0;
	s2 =	simm.s32 $0x14200;
	s1 =	smax.u32 s1, $0x1  }
0x15: {  	v5 =	vor.u32 $0x8, v0;
	v4 =	vmul.u32 $0x8, v4;
	s0 =	simm.s32 $0x18200;
	v1 =	vmov s8;
	[dreg:$0xc] =	wrdreg s1;
	s1 =	simm.s32 $0x13A00  }
.LBB2_31:
0x16: {  	[sflag:s7] =	ssyncadd.s32 $0xFFFF8000  }
.LBB2_32:
0x17: {  	s9 =	sadd.s32 $0x1, s9;
	s8 =	rddreg [dreg:$0xc]  }
0x18: {  	p1 =	sne.s32 s9, s8  }
.Ltmp1:
0x19: {  	_ = 	snop;
	(pc) =	sbr.rel @!p1 .LBB2_33-.Ltmp1, $1  }
0x1a: {  	_ =	sdelay $0x3  }
.LBB2_1:
.Ltmp2:
0x1b: {  	s8 =	rddreg [dreg:$0x1];
	s30 =	simm.s32 $0x1;
	(pc) =	sbr.rel @p0 .LBB2_7-.Ltmp2, $4  }
0x1c: {  	[tilespmem:s22], [sflag:$0x1] =	stream.linear.gather [hbm4b:s8+s22], $0x1000, $0x38;
	[tilespmem:$0x19200] =	vst v63  }
0x1d: {  	_ =	swait.ge [sflag:s30], $0x1000  }
0x1e: {  	[sflag:s30] =	ssyncset.done $0x0  }
0x1f: {  	v7 =	vimm.s32 $0x0;
	s8 =	simm.s32 $0x40;
	[dreg:$0xe] =	wrdreg s9;
	[sflag:s30] =	ssyncadd.s32 $0xFFFFF000  }
0x20: {  	s9 =	rddreg [dreg:$0x4]  }
0x21: {  	p2 =	sne.s32 s9, $0x1  }
.Ltmp3:
0x22: {  	_ = 	snop;
	(pc) =	sbr.rel @!p2 .LBB2_3-.Ltmp3, $2  }
0x23: {  	_ =	sdelay $0x2  }
0x24: {  	v8 =	vld [tilespmem:s8+$0xFFFFFFC0];
	p1 =	por $0x0, $0x0;
	s9 =	sadd.s32 $0xFFFFFFFF, s9  }
0x25: {  	v12 =	vld [tilespmem:s8+$0xFFFFFFD0]  }
0x26: {  	v13 =	vld [tilespmem:s8+$0xFFFFFFE0]  }
0x27: {  	v14 =	vld [tilespmem:s8+$0xFFFFFFF0];
	p2 =	sne.s32 s9, $0x1  }
.Ltmp4:
0x28: {  	v9 =	vld [tilespmem:s8+$0x0];
	(pc) =	sbr.rel @!p2 .LBB2_6-.Ltmp4, $4  }
0x29: {  	v10 =	vld [tilespmem:s8+$0x10];
	v8 =	vadd.s32 v7, v8  }
0x2a: {  	v11 =	vld [tilespmem:s8+$0x20];
	v8 =	vadd.s32 v12, v8  }
0x2b: {  	v12 =	vld [tilespmem:s8+$0x30];
	s8 =	sadd.s32 $0x80, s8;
	v13 =	vadd.s32 v13, v8  }
0x2c: {  	s9 =	sadd.s32 $0xFFFFFFFF, s9;
	p1 =	por $0x1, $0x1;
	v8 =	vld [tilespmem:s8+$0xFFFFFFC0];
	v13 =	vadd.s32 v14, v13  }
.LBB2_5:
0x2d: {  	p2 =	sne.s32 s9, $0x1;
	v14 =	vld [tilespmem:s8+$0xFFFFFFD0];
	v9 =	vadd.s32 v9, v13  }
0x2e: {  	v13 =	vld [tilespmem:s8+$0xFFFFFFE0];
	v9 =	vadd.s32 v10, v9  }
0x2f: {  	v15 =	vld [tilespmem:s8+$0xFFFFFFF0];
	v10 =	vadd.s32 v11, v9  }
.Ltmp5:
0x30: {  	v9 =	vld [tilespmem:s8+$0x0];
	v10 =	vadd.s32 v12, v10;
	(pc) =	sbr.rel @p2 .LBB2_5-.Ltmp5, $4  }
0x31: {  	v8 =	vadd.s32 v10, v8;
	v10 =	vld [tilespmem:s8+$0x10]  }
0x32: {  	v8 =	vadd.s32 v14, v8;
	v11 =	vld [tilespmem:s8+$0x20]  }
0x33: {  	v13 =	vadd.s32 v13, v8;
	v12 =	vld [tilespmem:s8+$0x30];
	s8 =	sadd.s32 $0x80, s8  }
0x34: {  	s9 =	sadd.s32 $0xFFFFFFFF, s9;
	v8 =	vld [tilespmem:s8+$0xFFFFFFC0];
	v13 =	vadd.s32 v15, v13  }
.LBB2_6:
0x35: {  	v9 =	vadd.s32 @p1 v9, v13  }
0x36: {  	v58 =	vld [tilespmem:s8+$0xFFFFFFD0];
	v9 =	vadd.s32 @p1 v10, v9  }
0x37: {  	v59 =	vld [tilespmem:s8+$0xFFFFFFE0];
	v9 =	vadd.s32 @p1 v11, v9  }
0x38: {  	v60 =	vld [tilespmem:s8+$0xFFFFFFF0];
	v9 =	vadd.s32 @p1 v12, v9  }
0x39: {  	v61 =	vld [tilespmem:s8+$0x0];
	v7 =	vpsel p1, v9, v7  }
0x3a: {  	v7 =	vadd.s32 v7, v8;
	v8 =	vld [tilespmem:s8+$0x10]  }
0x3b: {  	v62 =	vld [tilespmem:s8+$0x20];
	v7 =	vadd.s32 v58, v7  }
0x3c: {  	v63 =	vld [tilespmem:s8+$0x30];
	v7 =	vadd.s32 v59, v7  }
0x3d: {  	v7 =	vadd.s32 v60, v7  }
0x3e: {  	v7 =	vadd.s32 v61, v7  }
0x3f: {  	v7 =	vadd.s32 v8, v7  }
0x40: {  	v7 =	vadd.s32 v62, v7  }
0x41: {  	v7 =	vadd.s32 v63, v7  }
.LBB2_7:
0x42: {  	_ =	sdelay $0x2  }
0x43: {  	s8 =	simm.s32 $0x0  }
0x44: {  	v8 =	vld.idx.msk [tilespmem:v1+s8+$0x0 ss:$0x1], $0xffff;
	_ =	sdelay $0x3  }
0x45: {  	s10 =	rddreg [dreg:$0xd]  }
0x46: {  	v10 =	vor.u32 s10, v2;
	vm1 =	vne.s32 v8, $0x0;
	(xrf0) =	vadd.scan.msk.s32 $0xffff, v8  }
0x47: {  	vm2 =	veq.s32 v8, $0x0;
	v8 =	vsel vm1, $0x7FFFFFFF, v10  }
0x48: {  	v59 =	vnsel vm1, $0x7FFFFFFF, v10;
	(xrf0) =	vmax.scan.msk.u32 $0xffff, v8  }
0x49: {  	(xrf0) =	vmax.scan.msk.u32 $0xffff, v59;
	_ =	sdelay $0x2  }
0x4a: {  	v60, _, _ =	vpop (xrf0)  }
0x4b: {  	(v2sf) =	vpush v60, $0xF  }
0x4c: {  	s8 =	simm.s32 $0x0;
	v9 =	vor.u32 s10, v0;
	v62, _, _ =	vpop (xrf0)  }
0x4d: {  	[tilespmem:s8+$0x1000] =	vst.msk vm1, v9;
	(v2sf) =	vpush v62, $0xF;
	v63, _, _ =	vpop (xrf0)  }
0x4e: {  	s9 =	simm.s32 $0x10;
	[tilespmem:s8+$0x1100] =	vst.msk vm2, v9;
	(v2sf) =	vpush v63, $0xF  }
0x4f: {  	v8 =	vld.idx.msk [tilespmem:v1+s9+$0x0 ss:$0x1], $0xffff;
	_ =	sdelay $0x3  }
0x50: {  	s10 =	sadd.s32 $0x10, s10  }
0x51: {  	v61 =	vor.u32 s10, v2;
	vm1 =	vne.s32 v8, $0x0;
	(xrf0) =	vadd.scan.msk.s32 $0xffff, v8  }
0x52: {  	v11 =	vsel vm1, $0x7FFFFFFF, v61  }
0x53: {  	v10 =	vnsel vm1, $0x7FFFFFFF, v61;
	(xrf0) =	vmax.scan.msk.u32 $0xffff, v11  }
0x54: {  	s12 =	simm.s32 $0x80;
	s26 =	simm.s32 $0xC0;
	(xrf0) =	vmax.scan.msk.u32 $0xffff, v10  }
0x55: {  	s28 =	simm.s32 $0x0;
	s11 =	simm.s32 $0xFFFFFFFF;
	s9 =	simm.s32 $0xFFFFFFFF;
	vm2 =	veq.s32 v8, $0x0  }
.LBB2_8:
0x56: {  	s29 =	smov.u32 s11;
	s30 =	smov.u32 s9  }
0x57: {  	p1 =	sne.s32 s26, $0x1C0;
	v8, _, _ =	vpop (xrf0);
	s9 =	spop (v2sf)  }
0x58: {  	v10 =	vor.u32 s10, v0;
	(v2sf) =	vpush v8, $0xF;
	s8 =	sadd.s32 s8, s9;
	s9 =	ssub.s32 s28, s9  }
0x59: {  	[tilespmem:s8+$0x1000] =	vst.msk vm1, v10;
	v8, _, _ =	vpop (xrf0);
	s28 =	sadd.s32 $0x10, s9;
	s9 =	spop (v2sf)  }
0x5a: {  	s11 =	sshra.s32 s12, $0x2;
	[tilespmem:s28+$0x1100] =	vst.msk vm2, v10;
	v9, _, _ =	vpop (xrf0);
	(v2sf) =	vpush v8, $0xF;
	s9 =	sxor.u32 $0x80000000, s9;
	s12 =	spop (v2sf)  }
0x5b: {  	v8 =	vld.idx.msk [tilespmem:v1+s11+$0x0 ss:$0x1], $0xffff;
	(v2sf) =	vpush v9, $0xF;
	s11 =	sxor.u32 $0x80000000, s12;
	p2 =	sgt.s32 s30, s9;
	s12 =	smov.u32 s26  }
0x5c: {  	p3 =	sgt.s32 s29, s11;
	s9 =	smov.u32 @p2 s30  }
0x5d: {  	s11 =	smov.u32 @p3 s29;
	_ =	sdelay $0x2  }
0x5e: {  	s10 =	sadd.s32 $0x10, s10  }
0x5f: {  	v9 =	vor.u32 s10, v2;
	vm2 =	veq.s32 v8, $0x0;
	vm1 =	vne.s32 v8, $0x0;
	(xrf0) =	vadd.scan.msk.s32 $0xffff, v8  }
.Ltmp6:
0x60: {  	v8 =	vnsel vm1, $0x7FFFFFFF, v9;
	v9 =	vsel vm1, $0x7FFFFFFF, v9;
	(pc) =	sbr.rel @p1 .LBB2_8-.Ltmp6, $3  }
0x61: {  	(xrf0) =	vmax.scan.msk.u32 $0xffff, v9  }
0x62: {  	(xrf0) =	vmax.scan.msk.u32 $0xffff, v8;
	_ =	sdelay $0x1  }
0x63: {  	s26 =	sadd.s32 $0x40, s26  }
0x64: {  	s26 =	spop (v2sf)  }
0x65: {  	v8 =	vor.u32 s10, v0;
	s8 =	sadd.s32 s8, s26;
	s26 =	ssub.s32 s28, s26  }
0x66: {  	[tilespmem:s8+$0x1000] =	vst.msk vm1, v8;
	s26 =	sadd.s32 $0x10, s26  }
0x67: {  	s12 =	sshra.s32 s12, $0x2;
	[tilespmem:s26+$0x1100] =	vst.msk vm2, v8  }
0x68: {  	v9 =	vld.idx.msk [tilespmem:v1+s12+$0x0 ss:$0x1], $0xffff;
	_ =	sdelay $0x3  }
0x69: {  	s30 =	sadd.s32 $0x10, s10  }
0x6a: {  	v8 =	vor.u32 s30, v2;
	vm1 =	vne.s32 v9, $0x0  }
0x6b: {  	(xrf0) =	vadd.scan.msk.s32 $0xffff, v9;
	v10 =	vsel vm1, $0x7FFFFFFF, v8  }
0x6c: {  	v11, _, _ =	vpop (xrf0);
	v8 =	vnsel vm1, $0x7FFFFFFF, v8;
	(xrf0) =	vmax.scan.msk.u32 $0xffff, v10;
	_ =	sdelay $0x1  }
0x6d: {  	(v2sf) =	vpush v11, $0xF;
	v10, _, _ =	vpop (xrf0);
	(xrf0) =	vmax.scan.msk.u32 $0xffff, v8  }
0x6e: {  	v8, _, _ =	vpop (xrf0);
	(v2sf) =	vpush v10, $0xF  }
0x6f: {  	(v2sf) =	vpush v8, $0xF  }
0x70: {  	v8, _, _ =	vpop (xrf0)  }
0x71: {  	(v2sf) =	vpush v8, $0xF;
	v8, _, _ =	vpop (xrf0)  }
0x72: {  	(v2sf) =	vpush v8, $0xF  }
0x73: {  	v8, _, _ =	vpop (xrf0)  }
0x74: {  	(v2sf) =	vpush v8, $0xF;
	_ =	sdelay $0x3  }
0x75: {  	(xrf0) =	vadd.scan.msk.s32 $0xffff, v7;
	_ =	sdelay $0x1  }
0x76: {  	[dreg:$0x16] =	wrdreg s8;
	s8 =	spop (v2sf)  }
0x77: {  	[dreg:$0x15] =	wrdreg s30;
	s10 =	spop (v2sf);
	s12 =	sxor.u32 $0x80000000, s8  }
0x78: {  	s28 =	sxor.u32 $0x80000000, s10;
	p1 =	sgt.s32 s9, s12;
	s29 =	spop (v2sf)  }
0x79: {  	s12 =	smov.u32 @p1 s9;
	p1 =	sgt.s32 s11, s28;
	s30 =	spop (v2sf)  }
0x7a: {  	s28 =	smov.u32 @p1 s11;
	s11 =	rddreg [dreg:$0x16];
	v8, _, _ =	vpop (xrf0);
	s8 =	spop (v2sf)  }
0x7b: {  	s11 =	sadd.s32 s11, s29;
	(v2sf) =	vpush v8, $0xF;
	s30 =	sxor.u32 $0x80000000, s30;
	s8 =	sxor.u32 $0x80000000, s8  }
0x7c: {  	s10 =	spop (v2sf);
	p1 =	sgt.s32 s12, s30;
	p2 =	sgt.s32 s28, s8  }
0x7d: {  	s30 =	smov.u32 @p1 s12;
	s12 =	ssub.s32 s26, s29;
	s29 =	spop (v2sf)  }
0x7e: {  	s8 =	smov.u32 @p2 s28;
	s28 =	sadd.s32 s11, s10;
	s26 =	sxor.u32 $0x80000000, s29  }
0x7f: {  	s12 =	sadd.s32 $0x10, s12;
	s9 =	spop (v2sf);
	p1 =	sgt.s32 s30, s26  }
0x80: {  	s29 =	sxor.u32 $0x80000000, s9;
	s9 =	sadd.s32 $0xF, s28;
	s26 =	smov.u32 @p1 s30  }
0x81: {  	p2 =	sgt.s32 s8, s29;
	s30 =	sand.u32 $0xF, s9;
	p6 =	slt.s32 s9, $0x1  }
0x82: {  	s29 =	smov.u32 @p2 s8;
	p5 =	sne.s32 s30, $0x0;
	s30 =	sshra.s32 s9, $0x1F  }
0x83: {  	s8 =	sshrl.u32 s30, $0x1C;
	p1 =	por !p6, !p5;
	s30 =	rddreg [dreg:$0x15]  }
0x84: {  	s8 =	sadd.s32 s8, s9;
	v7 =	vor.u32 s30, v0;
	p3 =	por !p1, !p1;
	s9 =	simm.s32 $0x1  }
0x85: {  	s30 =	sadd.s32 $0xFFFFFFFF, s28;
	[tilespmem:s11+$0x1000] =	vst.msk vm1, v7;
	vm1 =	veq.s32 v9, $0x0;
	s8 =	sshra.s32 s8, $0x4;
	s9 =	simm.s32 @!p3 $0x0  }
0x86: {  	s10 =	ssub.s32 s12, s10;
	p1 =	sgt.s32 s30, $0x0;
	[tilespmem:s12+$0x1100] =	vst.msk vm1, v7;
	s12 =	ssub.s32 s8, s9  }
0x87: {  	s30 =	simm.s32 @!p1 $0x0;
	p1 =	slt.s32 s12, $0x1  }
.Ltmp7:
0x88: {  	_ = 	snop;
	(pc) =	sbr.rel @p1 .LBB2_10-.Ltmp7, $4  }
0x89: {  	_ = 	snop  }
0x8a: {  	s11 =	spop (v2sf);
	v7 =	vmov s29;
	[dreg:$0x12] =	wrdreg s8  }
0x8b: {  	s9 =	sadd.s32 $0x10, s10;
	[dreg:$0xf] =	wrdreg s11;
	[tilespmem:s28+$0x1000] =	vst v7;
	v7 =	vmov s26;
	s10 =	sadd.s32 s11, s30  }
0x8c: {  	[dreg:$0x10] =	wrdreg s12;
	[tilespmem:s9+$0x1100] =	vst v7;
	v7 =	vmov s10  }
0x8d: {  	v8 =	vbroadcast v8, $0xF;
	_ =	sdelay $0x1  }
0x8e: {  	v8 =	vadd.s32 v0, v8  }
0x8f: {  	vm1 =	vlt.s32 v8, s10  }
0x90: {  	v8 =	vnsel vm1, s10, v8  }
0x91: {  	v9 =	vshll.u32 v8, $0x4  }
0x92: {  	v8 =	vand.u32 $0x7, v8;
	v9 =	vand.u32 $0xFFFFFF80, v9  }
0x93: {  	v8 =	vor.u32 v8, v9  }
0x94: {  	v9 =	vperm.xlane v8, v3;
	_ =	sdelay $0x1  }
0x95: {  	v9 =	vadd.s32 v4, v9;
	_ =	sdelay $0x2  }
0x96: {  	s29 =	rddreg [dreg:$0x0]  }
0x97: {  	s8 =	simm.s32 $0x1200;
	[dreg:$0x14] =	wrdreg s9  }
0x98: {  	[tilespmem:s8], [sflag:$0x2] =	stream.indirect_vreg.gather [hbm4b:s29+s22], $0x80, v9, vm0, $0xb8;
	[tilespmem:$0x19200] =	vst v63  }
0x99: {  	s9 =	rddreg [dreg:$0x5];
	s10 =	simm.s32 $0x1A00  }
0x9a: {  	[tilespmem:s10], [sflag:$0x2] =	stream.indirect_vreg.gather [hbm4b:s9+s22], $0x80, v9, vm0, $0xb8;
	[tilespmem:$0x19200] =	vst v63  }
0x9b: {  	s28 =	rddreg [dreg:$0x6];
	s26 =	simm.s32 $0x2200  }
0x9c: {  	[tilespmem:s26], [sflag:$0x2] =	stream.indirect_vreg.gather [hbm4b:s28+s22], $0x80, v9, vm0, $0xb8;
	[tilespmem:$0x19200] =	vst v63  }
0x9d: {  	s30 =	rddreg [dreg:$0x7];
	s29 =	simm.s32 $0x2A00  }
0x9e: {  	[tilespmem:s29], [sflag:$0x2] =	stream.indirect_vreg.gather [hbm4b:s30+s22], $0x80, v9, vm0, $0xb8;
	[tilespmem:$0x19200] =	vst v63  }
0x9f: {  	s10 =	simm.s32 $0x3200;
	s26 =	rddreg [dreg:$0x8]  }
0xa0: {  	[tilespmem:s10], [sflag:$0x2] =	stream.indirect_vreg.gather [hbm4b:s26+s22], $0x80, v9, vm0, $0xb8;
	[tilespmem:$0x19200] =	vst v63  }
0xa1: {  	v8 =	vperm.xlane v8, v5;
	s29 =	simm.s32 $0x3A00;
	s10 =	rddreg [dreg:$0x9]  }
0xa2: {  	[tilespmem:s29], [sflag:$0x2] =	stream.indirect_vreg.gather [hbm4b:s10+s22], $0x80, v9, vm0, $0xb8;
	[tilespmem:$0x19200] =	vst v63  }
0xa3: {  	v8 =	vadd.s32 v4, v8;
	s8 =	simm.s32 $0x4200;
	s29 =	smov.u32 s10;
	s10 =	rddreg [dreg:$0xa]  }
0xa4: {  	[tilespmem:s8], [sflag:$0x2] =	stream.indirect_vreg.gather [hbm4b:s10+s22], $0x80, v9, vm0, $0xb8;
	[tilespmem:$0x19200] =	vst v63  }
0xa5: {  	s10 =	rddreg [dreg:$0xb];
	s8 =	simm.s32 $0x4A00  }
0xa6: {  	[tilespmem:s8], [sflag:$0x2] =	stream.indirect_vreg.gather [hbm4b:s10+s22], $0x80, v9, vm0, $0xb8;
	[tilespmem:$0x19200] =	vst v63  }
0xa7: {  	s8 =	simm.s32 $0x5200;
	s10 =	rddreg [dreg:$0x0]  }
0xa8: {  	[tilespmem:s8], [sflag:$0x2] =	stream.indirect_vreg.gather [hbm4b:s10+s22], $0x80, v8, vm0, $0xb8;
	[tilespmem:$0x19200] =	vst v63  }
0xa9: {  	p4 =	seq.s32 s12, $0x1;
	s10 =	simm.s32 $0x5A00  }
0xaa: {  	[tilespmem:s10], [sflag:$0x2] =	stream.indirect_vreg.gather [hbm4b:s9+s22], $0x80, v8, vm0, $0xb8;
	[tilespmem:$0x19200] =	vst v63  }
0xab: {  	v9 =	vlaneseq.u32 @!p4;
	s10 =	sadd.s32 @!p4 $0x10, s11  }
0xac: {  	v10 =	vadd.s32 @!p4 s10, v9;
	s10 =	simm.s32 $0x6200  }
0xad: {  	[tilespmem:s10], [sflag:$0x2] =	stream.indirect_vreg.gather [hbm4b:s28+s22], $0x80, v8, vm0, $0xb8;
	vm1 =	vlt.s32 @!p4 v10, v7;
	[tilespmem:$0x19200] =	vst v63  }
0xae: {  	s11 =	simm.s32 $0x6A00;
	v10 =	vsel @!p4 vm1, v10, v7  }
0xaf: {  	[tilespmem:s11], [sflag:$0x2] =	stream.indirect_vreg.gather [hbm4b:s30+s22], $0x80, v8, vm0, $0xb8;
	v11 =	vshll.u32 @!p4 v10, $0x4;
	[tilespmem:$0x19200] =	vst v63  }
0xb0: {  	s12 =	simm.s32 $0x7200;
	v10 =	vand.u32 @!p4 $0x7, v10;
	v11 =	vand.u32 @!p4 $0xFFFFFF80, v11  }
0xb1: {  	v12 =	vshrl.u32 @!p4 v9, $0x3;
	[tilespmem:s12], [sflag:$0x2] =	stream.indirect_vreg.gather [hbm4b:s26+s22], $0x80, v8, vm0, $0xb8;
	v10 =	vor.u32 @!p4 v10, v11;
	v11 =	vand.u32 @!p4 $0x7, v9;
	[tilespmem:$0x19200] =	vst v63  }
0xb2: {  	v12 =	vmul.u32 @!p4 $0x8, v12;
	s26 =	simm.s32 $0x7A00;
	v11 =	vperm.xlane @!p4 v10, v11  }
0xb3: {  	[tilespmem:s26], [sflag:$0x2] =	stream.indirect_vreg.gather [hbm4b:s29+s22], $0x80, v8, vm0, $0xb8;
	[tilespmem:$0x19200] =	vst v63  }
0xb4: {  	s10 =	simm.s32 $0x8200;
	s26 =	smov.u32 s29;
	s29 =	rddreg [dreg:$0xa];
	v11 =	vadd.s32 @!p4 v12, v11  }
0xb5: {  	[tilespmem:s10], [sflag:$0x2] =	stream.indirect_vreg.gather [hbm4b:s29+s22], $0x80, v8, vm0, $0xb8;
	[tilespmem:$0x19200] =	vst v63  }
0xb6: {  	s11 =	simm.s32 $0x8A00;
	s12 =	rddreg [dreg:$0xb]  }
0xb7: {  	[tilespmem:s11], [sflag:$0x2] =	stream.indirect_vreg.gather [hbm4b:s12+s22], $0x80, v8, vm0, $0xb8;
	[tilespmem:$0x19200] =	vst v63  }
0xb8: {  	s8 =	rddreg [dreg:$0x0];
	vm1 =	vmmov @!p4 $0xffff;
	s10 =	simm.s32 @!p4 $0x0;
	s11 =	simm.s32 @!p4 $0x9200  }
0xb9: {  	[tilespmem:s11], [sflag:$0x3] =	stream.indirect_vreg.gather @!p4 [hbm4b:s8+s10], $0x80, v11, vm1, $0xb8;
	[tilespmem:$0x19200] =	vst v63  }
0xba: {  	s11 =	simm.s32 @!p4 $0x9A00  }
0xbb: {  	[tilespmem:s11], [sflag:$0x3] =	stream.indirect_vreg.gather @!p4 [hbm4b:s9+s10], $0x80, v11, vm1, $0xb8;
	[tilespmem:$0x19200] =	vst v63  }
0xbc: {  	s11 =	simm.s32 @!p4 $0xA200  }
0xbd: {  	[tilespmem:s11], [sflag:$0x3] =	stream.indirect_vreg.gather @!p4 [hbm4b:s28+s10], $0x80, v11, vm1, $0xb8;
	[tilespmem:$0x19200] =	vst v63  }
0xbe: {  	s11 =	simm.s32 @!p4 $0xAA00  }
0xbf: {  	[tilespmem:s11], [sflag:$0x3] =	stream.indirect_vreg.gather @!p4 [hbm4b:s30+s10], $0x80, v11, vm1, $0xb8;
	[tilespmem:$0x19200] =	vst v63  }
0xc0: {  	s8 =	rddreg [dreg:$0x8];
	s11 =	simm.s32 @!p4 $0xB200  }
0xc1: {  	v8 =	vor.u32 @!p4 $0x8, v9;
	[tilespmem:s11], [sflag:$0x3] =	stream.indirect_vreg.gather @!p4 [hbm4b:s8+s10], $0x80, v11, vm1, $0xb8;
	[tilespmem:$0x19200] =	vst v63  }
0xc2: {  	v8 =	vperm.xlane @!p4 v10, v8;
	s11 =	simm.s32 @!p4 $0xBA00  }
0xc3: {  	[tilespmem:s11], [sflag:$0x3] =	stream.indirect_vreg.gather @!p4 [hbm4b:s26+s10], $0x80, v11, vm1, $0xb8;
	[tilespmem:$0x19200] =	vst v63  }
0xc4: {  	v8 =	vadd.s32 @!p4 v12, v8;
	s11 =	simm.s32 @!p4 $0xC200  }
0xc5: {  	[tilespmem:s11], [sflag:$0x3] =	stream.indirect_vreg.gather @!p4 [hbm4b:s29+s10], $0x80, v11, vm1, $0xb8;
	[tilespmem:$0x19200] =	vst v63  }
0xc6: {  	s11 =	simm.s32 @!p4 $0xCA00  }
0xc7: {  	[tilespmem:s11], [sflag:$0x3] =	stream.indirect_vreg.gather @!p4 [hbm4b:s12+s10], $0x80, v11, vm1, $0xb8;
	[tilespmem:$0x19200] =	vst v63  }
0xc8: {  	s26 =	smov.u32 s29;
	s29 =	rddreg [dreg:$0x0];
	s11 =	simm.s32 @!p4 $0xD200  }
0xc9: {  	[tilespmem:s11], [sflag:$0x3] =	stream.indirect_vreg.gather @!p4 [hbm4b:s29+s10], $0x80, v8, vm1, $0xb8;
	[tilespmem:$0x19200] =	vst v63  }
0xca: {  	s11 =	simm.s32 @!p4 $0xDA00  }
0xcb: {  	[tilespmem:s11], [sflag:$0x3] =	stream.indirect_vreg.gather @!p4 [hbm4b:s9+s10], $0x80, v8, vm1, $0xb8;
	[tilespmem:$0x19200] =	vst v63  }
0xcc: {  	s11 =	simm.s32 @!p4 $0xE200  }
0xcd: {  	[tilespmem:s11], [sflag:$0x3] =	stream.indirect_vreg.gather @!p4 [hbm4b:s28+s10], $0x80, v8, vm1, $0xb8;
	[tilespmem:$0x19200] =	vst v63  }
0xce: {  	s11 =	simm.s32 @!p4 $0xEA00  }
0xcf: {  	[tilespmem:s11], [sflag:$0x3] =	stream.indirect_vreg.gather @!p4 [hbm4b:s30+s10], $0x80, v8, vm1, $0xb8;
	[tilespmem:$0x19200] =	vst v63  }
0xd0: {  	s11 =	simm.s32 @!p4 $0xF200  }
0xd1: {  	[tilespmem:s11], [sflag:$0x3] =	stream.indirect_vreg.gather @!p4 [hbm4b:s8+s10], $0x80, v8, vm1, $0xb8;
	[tilespmem:$0x19200] =	vst v63  }
0xd2: {  	s11 =	simm.s32 @!p4 $0xFA00;
	s8 =	rddreg [dreg:$0x9]  }
0xd3: {  	[tilespmem:s11], [sflag:$0x3] =	stream.indirect_vreg.gather @!p4 [hbm4b:s8+s10], $0x80, v8, vm1, $0xb8;
	[tilespmem:$0x19200] =	vst v63  }
.Ltmp8:
0xd4: {  	p2 =	por $0x0, $0x0;
	p5 =	por @!p4 $0x1, $0x1;
	(pc) =	sbr.rel .LBB2_12-.Ltmp8, $4  }
0xd5: {  	p2 =	por @!p4 p5, p5;
	s11 =	simm.s32 @!p4 $0x10200  }
0xd6: {  	[tilespmem:s11], [sflag:$0x3] =	stream.indirect_vreg.gather @!p4 [hbm4b:s26+s10], $0x80, v8, vm1, $0xb8;
	[tilespmem:$0x19200] =	vst v63  }
0xd7: {  	s9 =	rddreg [dreg:$0x14];
	s8 =	simm.s32 $0x11200;
	s11 =	simm.s32 @!p4 $0x10A00  }
0xd8: {  	[tilespmem:s11], [sflag:$0x3] =	stream.indirect_vreg.gather @!p4 [hbm4b:s12+s10], $0x80, v8, vm1, $0xb8;
	[tilespmem:$0x19200] =	vst v63  }
.LBB2_10:
0xd9: {  	p2 =	por $0x0, $0x0;
	s8 =	simm.s32 $0x11200  }
.LBB2_12:
0xda: {  	s9 =	sadd.s32 $0xF, s9  }
0xdb: {  	s10 =	sand.u32 $0xF, s9  }
0xdc: {  	s11 =	sshra.s32 s9, $0x1F;
	p4 =	slt.s32 s9, $0x1;
	p5 =	sne.s32 s10, $0x0  }
0xdd: {  	s28 =	sshrl.u32 s11, $0x1C;
	p4 =	por !p4, !p5  }
0xde: {  	s10 =	simm.s32 $0x1;
	s9 =	sadd.s32 s28, s9;
	p4 =	por !p4, !p4  }
0xdf: {  	s9 =	sshra.s32 s9, $0x4;
	s10 =	simm.s32 @!p4 $0x0  }
0xe0: {  	s11 =	simm.s32 $0x0;
	s9 =	ssub.s32 s9, s10  }
0xe1: {  	s12 =	sand.u32 $0x4000, s11;
	[dreg:$0x11] =	wrdreg s9;
	s9 =	sand.u32 $0x380, s11  }
0xe2: {  	s9 =	sor.u32 s9, s12  }
0xe3: {  	s10 =	sadd.s32 $0x11200, s9;
	[tilespmem:s9+$0x11200] =	vst v6  }
0xe4: {  	[tilespmem:s10+$0x60] =	vst v6  }
0xe5: {  	[tilespmem:s10+$0x40] =	vst v6  }
0xe6: {  	[tilespmem:s10+$0x70] =	vst v6  }
0xe7: {  	[tilespmem:s10+$0x30] =	vst v6  }
0xe8: {  	[tilespmem:s10+$0x20] =	vst v6  }
0xe9: {  	[tilespmem:s10+$0x50] =	vst v6  }
0xea: {  	[tilespmem:s10+$0x10] =	vst v6  }
0xeb: {  	[tilespmem:s9+$0x11600] =	vst v6  }
0xec: {  	[tilespmem:s10+$0x470] =	vst v6  }
0xed: {  	[tilespmem:s10+$0x460] =	vst v6  }
0xee: {  	[tilespmem:s10+$0x440] =	vst v6  }
0xef: {  	[tilespmem:s10+$0x430] =	vst v6  }
0xf0: {  	[tilespmem:s10+$0x420] =	vst v6  }
0xf1: {  	[tilespmem:s10+$0x410] =	vst v6  }
0xf2: {  	[tilespmem:s10+$0x450] =	vst v6  }
0xf3: {  	s26 =	sadd.s32 $0x11A00, s9;
	[tilespmem:s9+$0x11A00] =	vst v6  }
0xf4: {  	[tilespmem:s26+$0x70] =	vst v6  }
0xf5: {  	[tilespmem:s26+$0x60] =	vst v6  }
0xf6: {  	[tilespmem:s26+$0x50] =	vst v6  }
0xf7: {  	[tilespmem:s26+$0x40] =	vst v6  }
0xf8: {  	[tilespmem:s26+$0x30] =	vst v6  }
0xf9: {  	[tilespmem:s26+$0x20] =	vst v6  }
0xfa: {  	[tilespmem:s26+$0x10] =	vst v6  }
0xfb: {  	[tilespmem:s9+$0x11E00] =	vst v6  }
0xfc: {  	[tilespmem:s26+$0x470] =	vst v6  }
0xfd: {  	[tilespmem:s26+$0x430] =	vst v6  }
0xfe: {  	[tilespmem:s26+$0x460] =	vst v6  }
0xff: {  	[tilespmem:s26+$0x420] =	vst v6  }
0x100: {  	[tilespmem:s26+$0x440] =	vst v6  }
0x101: {  	[tilespmem:s26+$0x410] =	vst v6  }
0x102: {  	[tilespmem:s26+$0x450] =	vst v6  }
0x103: {  	s28 =	sadd.s32 $0x12200, s9;
	[tilespmem:s9+$0x12200] =	vst v6  }
0x104: {  	[tilespmem:s28+$0x70] =	vst v6  }
0x105: {  	[tilespmem:s28+$0x60] =	vst v6  }
0x106: {  	[tilespmem:s28+$0x50] =	vst v6  }
0x107: {  	[tilespmem:s28+$0x40] =	vst v6  }
0x108: {  	[tilespmem:s28+$0x30] =	vst v6  }
0x109: {  	[tilespmem:s28+$0x20] =	vst v6  }
0x10a: {  	[tilespmem:s28+$0x10] =	vst v6  }
0x10b: {  	[tilespmem:s9+$0x12600] =	vst v6  }
0x10c: {  	[tilespmem:s28+$0x470] =	vst v6  }
0x10d: {  	[tilespmem:s28+$0x430] =	vst v6  }
0x10e: {  	[tilespmem:s28+$0x460] =	vst v6  }
0x10f: {  	[tilespmem:s28+$0x420] =	vst v6  }
0x110: {  	[tilespmem:s28+$0x440] =	vst v6  }
0x111: {  	[tilespmem:s28+$0x410] =	vst v6  }
0x112: {  	s11 =	sadd.s32 $0x12A00, s9;
	[tilespmem:s28+$0x450] =	vst v6  }
0x113: {  	[tilespmem:s11+$0x60] =	vst v6  }
0x114: {  	[tilespmem:s11+$0x70] =	vst v6  }
0x115: {  	[tilespmem:s11+$0x50] =	vst v6  }
0x116: {  	[tilespmem:s9+$0x12A00] =	vst v6  }
0x117: {  	[tilespmem:s11+$0x40] =	vst v6  }
0x118: {  	[tilespmem:s11+$0x20] =	vst v6  }
0x119: {  	[tilespmem:s11+$0x10] =	vst v6  }
0x11a: {  	[tilespmem:s11+$0x30] =	vst v6  }
0x11b: {  	[tilespmem:s9+$0x12E00] =	vst v6  }
0x11c: {  	[tilespmem:s11+$0x450] =	vst v6  }
0x11d: {  	[tilespmem:s11+$0x430] =	vst v6  }
0x11e: {  	[tilespmem:s11+$0x440] =	vst v6  }
0x11f: {  	[tilespmem:s11+$0x420] =	vst v6  }
0x120: {  	[tilespmem:s11+$0x470] =	vst v6  }
0x121: {  	[tilespmem:s11+$0x460] =	vst v6  }
0x122: {  	s12 =	sadd.s32 $0x13200, s9;
	[tilespmem:s11+$0x410] =	vst v6  }
0x123: {  	[tilespmem:s12+$0x70] =	vst v6  }
0x124: {  	[tilespmem:s12+$0x60] =	vst v6  }
0x125: {  	[tilespmem:s12+$0x40] =	vst v6  }
0x126: {  	[tilespmem:s12+$0x50] =	vst v6  }
0x127: {  	[tilespmem:s9+$0x13200] =	vst v6  }
0x128: {  	[tilespmem:s12+$0x10] =	vst v6  }
0x129: {  	[tilespmem:s12+$0x20] =	vst v6  }
0x12a: {  	[tilespmem:s12+$0x30] =	vst v6  }
0x12b: {  	[tilespmem:s9+$0x13600] =	vst v6  }
0x12c: {  	[tilespmem:s12+$0x470] =	vst v6  }
0x12d: {  	[tilespmem:s12+$0x420] =	vst v6  }
0x12e: {  	[tilespmem:s12+$0x460] =	vst v6  }
0x12f: {  	[tilespmem:s12+$0x450] =	vst v6  }
0x130: {  	[tilespmem:s12+$0x430] =	vst v6  }
0x131: {  	[tilespmem:s12+$0x440] =	vst v6  }
0x132: {  	s26 =	sadd.s32 $0x13A00, s9;
	[tilespmem:s12+$0x410] =	vst v6  }
0x133: {  	[tilespmem:s26+$0x70] =	vst v6  }
0x134: {  	[tilespmem:s26+$0x60] =	vst v6  }
0x135: {  	[tilespmem:s26+$0x50] =	vst v6  }
0x136: {  	[tilespmem:s26+$0x40] =	vst v6  }
0x137: {  	[tilespmem:s9+$0x13A00] =	vst v6  }
0x138: {  	[tilespmem:s26+$0x10] =	vst v6  }
0x139: {  	[tilespmem:s26+$0x20] =	vst v6  }
0x13a: {  	[tilespmem:s26+$0x30] =	vst v6  }
0x13b: {  	[tilespmem:s9+$0x13E00] =	vst v6  }
0x13c: {  	[tilespmem:s26+$0x470] =	vst v6  }
0x13d: {  	[tilespmem:s26+$0x420] =	vst v6  }
0x13e: {  	[tilespmem:s26+$0x430] =	vst v6  }
0x13f: {  	[tilespmem:s26+$0x440] =	vst v6  }
0x140: {  	[tilespmem:s26+$0x460] =	vst v6  }
0x141: {  	[tilespmem:s26+$0x450] =	vst v6  }
0x142: {  	s28 =	sadd.s32 $0x14200, s9;
	[tilespmem:s26+$0x410] =	vst v6  }
0x143: {  	[tilespmem:s28+$0x60] =	vst v6  }
0x144: {  	[tilespmem:s28+$0x70] =	vst v6  }
0x145: {  	[tilespmem:s28+$0x50] =	vst v6  }
0x146: {  	[tilespmem:s28+$0x40] =	vst v6  }
0x147: {  	[tilespmem:s9+$0x14200] =	vst v6  }
0x148: {  	[tilespmem:s28+$0x10] =	vst v6  }
0x149: {  	[tilespmem:s28+$0x20] =	vst v6  }
0x14a: {  	[tilespmem:s28+$0x30] =	vst v6  }
0x14b: {  	[tilespmem:s9+$0x14600] =	vst v6  }
0x14c: {  	[tilespmem:s28+$0x470] =	vst v6  }
0x14d: {  	[tilespmem:s28+$0x450] =	vst v6  }
0x14e: {  	[tilespmem:s28+$0x460] =	vst v6  }
0x14f: {  	[tilespmem:s28+$0x430] =	vst v6  }
0x150: {  	[tilespmem:s28+$0x410] =	vst v6  }
0x151: {  	[tilespmem:s28+$0x420] =	vst v6  }
0x152: {  	s12 =	sadd.s32 $0x14A00, s9;
	[tilespmem:s28+$0x440] =	vst v6  }
0x153: {  	[tilespmem:s12+$0x70] =	vst v6  }
0x154: {  	[tilespmem:s12+$0x60] =	vst v6  }
0x155: {  	[tilespmem:s9+$0x14A00] =	vst v6  }
0x156: {  	[tilespmem:s12+$0x50] =	vst v6  }
0x157: {  	[tilespmem:s12+$0x40] =	vst v6  }
0x158: {  	[tilespmem:s12+$0x30] =	vst v6  }
0x159: {  	[tilespmem:s12+$0x20] =	vst v6  }
0x15a: {  	[tilespmem:s12+$0x10] =	vst v6  }
0x15b: {  	[tilespmem:s9+$0x14E00] =	vst v6  }
0x15c: {  	[tilespmem:s12+$0x460] =	vst v6  }
0x15d: {  	[tilespmem:s12+$0x450] =	vst v6  }
0x15e: {  	[tilespmem:s12+$0x440] =	vst v6  }
0x15f: {  	s30 =	simm.s32 $0xFFFFFFFF;
	s29 =	rddreg [dreg:$0x10];
	[tilespmem:s12+$0x430] =	vst v6  }
0x160: {  	s30 =	simm.s32 @!p3 $0x0;
	s26 =	simm.s32 $0x800;
	s9 =	simm.s32 $0x80;
	[tilespmem:s12+$0x420] =	vst v6  }
.LBB2_13:
0x161: {  	s10 =	smov.u32 s26  }
0x162: {  	s11 =	sand.u32 $0x4000, s26;
	s28 =	sand.u32 $0x380, s9;
	[tilespmem:s12+$0x410] =	vst v6;
	s10 =	sadd.s32 $0x800, s26  }
0x163: {  	p3 =	seq.s32 s26, $0x7800;
	s11 =	sor.u32 s28, s11;
	[tilespmem:s12+$0x470] =	vst v6  }
0x164: {  	s12 =	sadd.s32 $0x11200, s11;
	[tilespmem:s11+$0x11200] =	vst v6  }
0x165: {  	[tilespmem:s12+$0x60] =	vst v6  }
0x166: {  	[tilespmem:s12+$0x40] =	vst v6  }
0x167: {  	[tilespmem:s12+$0x70] =	vst v6  }
0x168: {  	[tilespmem:s12+$0x30] =	vst v6  }
0x169: {  	[tilespmem:s12+$0x20] =	vst v6  }
0x16a: {  	[tilespmem:s12+$0x50] =	vst v6  }
0x16b: {  	[tilespmem:s12+$0x10] =	vst v6  }
0x16c: {  	[tilespmem:s11+$0x11600] =	vst v6  }
0x16d: {  	[tilespmem:s12+$0x470] =	vst v6  }
0x16e: {  	[tilespmem:s12+$0x460] =	vst v6  }
0x16f: {  	[tilespmem:s12+$0x440] =	vst v6  }
0x170: {  	[tilespmem:s12+$0x430] =	vst v6  }
0x171: {  	[tilespmem:s12+$0x420] =	vst v6  }
0x172: {  	[tilespmem:s12+$0x410] =	vst v6  }
0x173: {  	[tilespmem:s12+$0x450] =	vst v6  }
0x174: {  	s12 =	sadd.s32 $0x11A00, s11;
	[tilespmem:s11+$0x11A00] =	vst v6  }
0x175: {  	[tilespmem:s12+$0x70] =	vst v6  }
0x176: {  	[tilespmem:s12+$0x60] =	vst v6  }
0x177: {  	[tilespmem:s12+$0x30] =	vst v6  }
0x178: {  	[tilespmem:s12+$0x20] =	vst v6  }
0x179: {  	[tilespmem:s12+$0x50] =	vst v6  }
0x17a: {  	[tilespmem:s12+$0x10] =	vst v6  }
0x17b: {  	[tilespmem:s12+$0x40] =	vst v6  }
0x17c: {  	[tilespmem:s11+$0x11E00] =	vst v6  }
0x17d: {  	[tilespmem:s12+$0x470] =	vst v6  }
0x17e: {  	[tilespmem:s12+$0x430] =	vst v6  }
0x17f: {  	[tilespmem:s12+$0x460] =	vst v6  }
0x180: {  	[tilespmem:s12+$0x420] =	vst v6  }
0x181: {  	[tilespmem:s12+$0x440] =	vst v6  }
0x182: {  	[tilespmem:s12+$0x410] =	vst v6  }
0x183: {  	[tilespmem:s12+$0x450] =	vst v6  }
0x184: {  	s12 =	sadd.s32 $0x12200, s11;
	[tilespmem:s11+$0x12200] =	vst v6  }
0x185: {  	[tilespmem:s12+$0x70] =	vst v6  }
0x186: {  	[tilespmem:s12+$0x30] =	vst v6  }
0x187: {  	[tilespmem:s12+$0x60] =	vst v6  }
0x188: {  	[tilespmem:s12+$0x50] =	vst v6  }
0x189: {  	[tilespmem:s12+$0x20] =	vst v6  }
0x18a: {  	[tilespmem:s12+$0x10] =	vst v6  }
0x18b: {  	[tilespmem:s12+$0x40] =	vst v6  }
0x18c: {  	[tilespmem:s11+$0x12600] =	vst v6  }
0x18d: {  	[tilespmem:s12+$0x470] =	vst v6  }
0x18e: {  	[tilespmem:s12+$0x430] =	vst v6  }
0x18f: {  	[tilespmem:s12+$0x460] =	vst v6  }
0x190: {  	[tilespmem:s12+$0x420] =	vst v6  }
0x191: {  	[tilespmem:s12+$0x440] =	vst v6  }
0x192: {  	[tilespmem:s12+$0x410] =	vst v6  }
0x193: {  	[tilespmem:s12+$0x450] =	vst v6;
	s12 =	sadd.s32 $0x12A00, s11  }
0x194: {  	[tilespmem:s12+$0x60] =	vst v6  }
0x195: {  	[tilespmem:s12+$0x70] =	vst v6  }
0x196: {  	[tilespmem:s12+$0x50] =	vst v6  }
0x197: {  	[tilespmem:s11+$0x12A00] =	vst v6  }
0x198: {  	[tilespmem:s12+$0x20] =	vst v6  }
0x199: {  	[tilespmem:s12+$0x10] =	vst v6  }
0x19a: {  	[tilespmem:s12+$0x30] =	vst v6  }
0x19b: {  	[tilespmem:s12+$0x40] =	vst v6  }
0x19c: {  	[tilespmem:s11+$0x12E00] =	vst v6  }
0x19d: {  	[tilespmem:s12+$0x450] =	vst v6  }
0x19e: {  	[tilespmem:s12+$0x430] =	vst v6  }
0x19f: {  	[tilespmem:s12+$0x440] =	vst v6  }
0x1a0: {  	[tilespmem:s12+$0x420] =	vst v6  }
0x1a1: {  	[tilespmem:s12+$0x470] =	vst v6  }
0x1a2: {  	[tilespmem:s12+$0x460] =	vst v6  }
0x1a3: {  	[tilespmem:s12+$0x410] =	vst v6;
	s12 =	sadd.s32 $0x13200, s11  }
0x1a4: {  	[tilespmem:s12+$0x70] =	vst v6  }
0x1a5: {  	[tilespmem:s12+$0x60] =	vst v6  }
0x1a6: {  	[tilespmem:s12+$0x40] =	vst v6  }
0x1a7: {  	[tilespmem:s12+$0x50] =	vst v6  }
0x1a8: {  	[tilespmem:s11+$0x13200] =	vst v6  }
0x1a9: {  	[tilespmem:s12+$0x10] =	vst v6  }
0x1aa: {  	[tilespmem:s12+$0x20] =	vst v6  }
0x1ab: {  	[tilespmem:s12+$0x30] =	vst v6  }
0x1ac: {  	[tilespmem:s11+$0x13600] =	vst v6  }
0x1ad: {  	[tilespmem:s12+$0x470] =	vst v6  }
0x1ae: {  	[tilespmem:s12+$0x420] =	vst v6  }
0x1af: {  	[tilespmem:s12+$0x460] =	vst v6  }
0x1b0: {  	[tilespmem:s12+$0x450] =	vst v6  }
0x1b1: {  	[tilespmem:s12+$0x430] =	vst v6  }
0x1b2: {  	[tilespmem:s12+$0x440] =	vst v6  }
0x1b3: {  	[tilespmem:s12+$0x410] =	vst v6;
	s12 =	sadd.s32 $0x13A00, s11  }
0x1b4: {  	[tilespmem:s12+$0x70] =	vst v6  }
0x1b5: {  	[tilespmem:s12+$0x60] =	vst v6  }
0x1b6: {  	[tilespmem:s12+$0x50] =	vst v6  }
0x1b7: {  	[tilespmem:s12+$0x40] =	vst v6  }
0x1b8: {  	[tilespmem:s11+$0x13A00] =	vst v6  }
0x1b9: {  	[tilespmem:s12+$0x10] =	vst v6  }
0x1ba: {  	[tilespmem:s12+$0x20] =	vst v6  }
0x1bb: {  	[tilespmem:s12+$0x30] =	vst v6  }
0x1bc: {  	[tilespmem:s11+$0x13E00] =	vst v6  }
0x1bd: {  	[tilespmem:s12+$0x470] =	vst v6  }
0x1be: {  	[tilespmem:s12+$0x420] =	vst v6  }
0x1bf: {  	[tilespmem:s12+$0x430] =	vst v6  }
0x1c0: {  	[tilespmem:s12+$0x440] =	vst v6  }
0x1c1: {  	[tilespmem:s12+$0x460] =	vst v6  }
0x1c2: {  	[tilespmem:s12+$0x450] =	vst v6  }
0x1c3: {  	[tilespmem:s12+$0x410] =	vst v6;
	s12 =	sadd.s32 $0x14200, s11  }
0x1c4: {  	[tilespmem:s12+$0x60] =	vst v6  }
0x1c5: {  	[tilespmem:s12+$0x70] =	vst v6  }
0x1c6: {  	[tilespmem:s12+$0x50] =	vst v6  }
0x1c7: {  	[tilespmem:s12+$0x40] =	vst v6  }
0x1c8: {  	[tilespmem:s11+$0x14200] =	vst v6  }
0x1c9: {  	[tilespmem:s12+$0x10] =	vst v6  }
0x1ca: {  	[tilespmem:s12+$0x20] =	vst v6  }
0x1cb: {  	[tilespmem:s12+$0x30] =	vst v6  }
0x1cc: {  	[tilespmem:s11+$0x14600] =	vst v6  }
0x1cd: {  	[tilespmem:s12+$0x470] =	vst v6  }
0x1ce: {  	[tilespmem:s12+$0x450] =	vst v6  }
0x1cf: {  	[tilespmem:s12+$0x460] =	vst v6  }
0x1d0: {  	[tilespmem:s12+$0x430] =	vst v6  }
0x1d1: {  	[tilespmem:s12+$0x410] =	vst v6  }
0x1d2: {  	[tilespmem:s12+$0x420] =	vst v6  }
0x1d3: {  	[tilespmem:s12+$0x440] =	vst v6;
	s12 =	sadd.s32 $0x14A00, s11  }
0x1d4: {  	[tilespmem:s12+$0x70] =	vst v6  }
0x1d5: {  	[tilespmem:s12+$0x60] =	vst v6  }
0x1d6: {  	[tilespmem:s11+$0x14A00] =	vst v6  }
0x1d7: {  	[tilespmem:s12+$0x30] =	vst v6  }
0x1d8: {  	[tilespmem:s12+$0x50] =	vst v6  }
0x1d9: {  	[tilespmem:s12+$0x20] =	vst v6  }
0x1da: {  	[tilespmem:s12+$0x10] =	vst v6  }
0x1db: {  	[tilespmem:s12+$0x40] =	vst v6  }
0x1dc: {  	[tilespmem:s11+$0x14E00] =	vst v6  }
.Ltmp9:
0x1dd: {  	[tilespmem:s12+$0x460] =	vst v6;
	(pc) =	sbr.rel @!p3 .LBB2_13-.Ltmp9, $4  }
0x1de: {  	[tilespmem:s12+$0x450] =	vst v6  }
0x1df: {  	[tilespmem:s12+$0x440] =	vst v6  }
0x1e0: {  	[tilespmem:s12+$0x430] =	vst v6  }
0x1e1: {  	s9 =	sadd.s32 $0x80, s9;
	s26 =	smov.u32 s10;
	[tilespmem:s12+$0x420] =	vst v6  }
0x1e2: {  	s9 =	rddreg [dreg:$0x11]  }
0x1e3: {  	p3 =	sgt.s32 s9, $0x0  }
.Ltmp10:
0x1e4: {  	_ = 	snop;
	(pc) =	sbr.rel @!p3 .LBB2_15-.Ltmp10, $3  }
0x1e5: {  	_ =	sdelay $0x1  }
0x1e6: {  	[tilespmem:s12+$0x410] =	vst v6;
	s10 =	simm.s32 $0x1100  }
0x1e7: {  	[tilespmem:s12+$0x470] =	vst v6;
	s11 =	simm.s32 $0x11A00;
	s12 =	simm.s32 $0x12200;
	s26 =	simm.s32 $0x12A00  }
0x1e8: {  	v8 =	vld [tilespmem:s10+$0x0];
	_ =	sdelay $0x4  }
0x1e9: {  	v9 =	vshll.u32 v8, $0x4  }
0x1ea: {  	v8 =	vand.u32 $0x7, v8;
	v9 =	vand.u32 $0xFFFFFF80, v9  }
0x1eb: {  	v8 =	vor.u32 v8, v9  }
0x1ec: {  	v9 =	vperm.xlane v8, v3;
	_ =	sdelay $0x1  }
0x1ed: {  	v9 =	vadd.s32 v4, v9;
	_ =	sdelay $0x4  }
0x1ee: {  	[hbm4b:s4+s22] =	stream.indirect_vreg.scatter [tilespmem:s8], [sflag:$0x6], $0x80, v9, vm0, $0xb8;
	[tilespmem:$0x19200] =	vst v63  }
0x1ef: {  	_ = 	snop  }
0x1f0: {  	[hbm4b:s13+s22] =	stream.indirect_vreg.scatter [tilespmem:s11], [sflag:$0x6], $0x80, v9, vm0, $0xb8;
	[tilespmem:$0x19200] =	vst v63  }
0x1f1: {  	_ = 	snop  }
0x1f2: {  	[hbm4b:s14+s22] =	stream.indirect_vreg.scatter [tilespmem:s12], [sflag:$0x6], $0x80, v9, vm0, $0xb8;
	[tilespmem:$0x19200] =	vst v63  }
0x1f3: {  	_ = 	snop  }
0x1f4: {  	[hbm4b:s15+s22] =	stream.indirect_vreg.scatter [tilespmem:s26], [sflag:$0x6], $0x80, v9, vm0, $0xb8;
	[tilespmem:$0x19200] =	vst v63  }
0x1f5: {  	_ = 	snop  }
0x1f6: {  	[hbm4b:s16+s22] =	stream.indirect_vreg.scatter [tilespmem:s31], [sflag:$0x6], $0x80, v9, vm0, $0xb8;
	[tilespmem:$0x19200] =	vst v63  }
0x1f7: {  	v8 =	vperm.xlane v8, v5  }
0x1f8: {  	[hbm4b:s17+s22] =	stream.indirect_vreg.scatter [tilespmem:s1], [sflag:$0x6], $0x80, v9, vm0, $0xb8;
	[tilespmem:$0x19200] =	vst v63  }
0x1f9: {  	v8 =	vadd.s32 v4, v8  }
0x1fa: {  	[hbm4b:s18+s22] =	stream.indirect_vreg.scatter [tilespmem:s2], [sflag:$0x6], $0x80, v9, vm0, $0xb8;
	[tilespmem:$0x19200] =	vst v63  }
0x1fb: {  	_ = 	snop  }
0x1fc: {  	[hbm4b:s19+s22] =	stream.indirect_vreg.scatter [tilespmem:s3], [sflag:$0x6], $0x80, v9, vm0, $0xb8;
	[tilespmem:$0x19200] =	vst v63  }
0x1fd: {  	_ = 	snop  }
0x1fe: {  	[hbm4b:s4+s22] =	stream.indirect_vreg.scatter [tilespmem:s20], [sflag:$0x6], $0x80, v8, vm0, $0xb8;
	[tilespmem:$0x19200] =	vst v63  }
0x1ff: {  	_ = 	snop  }
0x200: {  	[hbm4b:s13+s22] =	stream.indirect_vreg.scatter [tilespmem:s5], [sflag:$0x6], $0x80, v8, vm0, $0xb8;
	[tilespmem:$0x19200] =	vst v63  }
0x201: {  	_ = 	snop  }
0x202: {  	[hbm4b:s14+s22] =	stream.indirect_vreg.scatter [tilespmem:s23], [sflag:$0x6], $0x80, v8, vm0, $0xb8;
	[tilespmem:$0x19200] =	vst v63  }
0x203: {  	s9 =	rddreg [dreg:$0x11]  }
0x204: {  	[hbm4b:s15+s22] =	stream.indirect_vreg.scatter [tilespmem:s21], [sflag:$0x6], $0x80, v8, vm0, $0xb8;
	[tilespmem:$0x19200] =	vst v63  }
0x205: {  	p3 =	seq.s32 s9, $0x1  }
0x206: {  	[hbm4b:s16+s22] =	stream.indirect_vreg.scatter [tilespmem:s24], [sflag:$0x6], $0x80, v8, vm0, $0xb8;
	[tilespmem:$0x19200] =	vst v63  }
.Ltmp11:
0x207: {  	_ = 	snop;
	(pc) =	sbr.rel @p3 .LBB2_22-.Ltmp11, $4  }
0x208: {  	_ = 	snop  }
0x209: {  	[hbm4b:s17+s22] =	stream.indirect_vreg.scatter [tilespmem:s25], [sflag:$0x6], $0x80, v8, vm0, $0xb8;
	[tilespmem:$0x19200] =	vst v63  }
0x20a: {  	s10 =	sadd.s32 $0x10, s10;
	s9 =	sadd.s32 $0xFFFFFFFF, s9  }
0x20b: {  	[hbm4b:s18+s22] =	stream.indirect_vreg.scatter [tilespmem:s0], [sflag:$0x6], $0x80, v8, vm0, $0xb8;
	[tilespmem:$0x19200] =	vst v63  }
.LBB2_21:
0x20c: {  	[hbm4b:s19+s22] =	stream.indirect_vreg.scatter [tilespmem:s6], [sflag:$0x6], $0x80, v8, vm0, $0xb8;
	[tilespmem:$0x19200] =	vst v63  }
0x20d: {  	p3 =	seq.s32 s9, $0x1;
	s9 =	sadd.s32 $0xFFFFFFFF, s9;
	v8 =	vld [tilespmem:s10+$0x0];
	_ =	sdelay $0x4  }
0x20e: {  	v9 =	vshll.u32 v8, $0x4  }
0x20f: {  	v8 =	vand.u32 $0x7, v8;
	v9 =	vand.u32 $0xFFFFFF80, v9  }
0x210: {  	v8 =	vor.u32 v8, v9  }
0x211: {  	v9 =	vperm.xlane v8, v3;
	v8 =	vperm.xlane v8, v5;
	_ =	sdelay $0x1  }
0x212: {  	v9 =	vadd.s32 v4, v9;
	_ =	sdelay $0x4  }
0x213: {  	[hbm4b:s4+s22] =	stream.indirect_vreg.scatter [tilespmem:s8], [sflag:$0x6], $0x80, v9, vm0, $0xb8;
	[tilespmem:$0x19200] =	vst v63  }
0x214: {  	_ = 	snop  }
0x215: {  	[hbm4b:s13+s22] =	stream.indirect_vreg.scatter [tilespmem:s11], [sflag:$0x6], $0x80, v9, vm0, $0xb8;
	[tilespmem:$0x19200] =	vst v63  }
0x216: {  	_ = 	snop  }
0x217: {  	[hbm4b:s14+s22] =	stream.indirect_vreg.scatter [tilespmem:s12], [sflag:$0x6], $0x80, v9, vm0, $0xb8;
	[tilespmem:$0x19200] =	vst v63  }
0x218: {  	_ = 	snop  }
0x219: {  	[hbm4b:s15+s22] =	stream.indirect_vreg.scatter [tilespmem:s26], [sflag:$0x6], $0x80, v9, vm0, $0xb8;
	[tilespmem:$0x19200] =	vst v63  }
0x21a: {  	_ = 	snop  }
0x21b: {  	[hbm4b:s16+s22] =	stream.indirect_vreg.scatter [tilespmem:s31], [sflag:$0x6], $0x80, v9, vm0, $0xb8;
	[tilespmem:$0x19200] =	vst v63  }
0x21c: {  	_ = 	snop  }
0x21d: {  	[hbm4b:s17+s22] =	stream.indirect_vreg.scatter [tilespmem:s1], [sflag:$0x6], $0x80, v9, vm0, $0xb8;
	[tilespmem:$0x19200] =	vst v63  }
0x21e: {  	v8 =	vadd.s32 v4, v8  }
0x21f: {  	[hbm4b:s18+s22] =	stream.indirect_vreg.scatter [tilespmem:s2], [sflag:$0x6], $0x80, v9, vm0, $0xb8;
	[tilespmem:$0x19200] =	vst v63  }
0x220: {  	_ = 	snop  }
0x221: {  	[hbm4b:s19+s22] =	stream.indirect_vreg.scatter [tilespmem:s3], [sflag:$0x6], $0x80, v9, vm0, $0xb8;
	[tilespmem:$0x19200] =	vst v63  }
0x222: {  	_ = 	snop  }
0x223: {  	[hbm4b:s4+s22] =	stream.indirect_vreg.scatter [tilespmem:s20], [sflag:$0x6], $0x80, v8, vm0, $0xb8;
	[tilespmem:$0x19200] =	vst v63  }
0x224: {  	_ = 	snop  }
0x225: {  	[hbm4b:s13+s22] =	stream.indirect_vreg.scatter [tilespmem:s5], [sflag:$0x6], $0x80, v8, vm0, $0xb8;
	[tilespmem:$0x19200] =	vst v63  }
0x226: {  	_ = 	snop  }
0x227: {  	[hbm4b:s14+s22] =	stream.indirect_vreg.scatter [tilespmem:s23], [sflag:$0x6], $0x80, v8, vm0, $0xb8;
	[tilespmem:$0x19200] =	vst v63  }
0x228: {  	_ = 	snop  }
0x229: {  	[hbm4b:s15+s22] =	stream.indirect_vreg.scatter [tilespmem:s21], [sflag:$0x6], $0x80, v8, vm0, $0xb8;
	[tilespmem:$0x19200] =	vst v63  }
0x22a: {  	_ = 	snop  }
0x22b: {  	[hbm4b:s16+s22] =	stream.indirect_vreg.scatter [tilespmem:s24], [sflag:$0x6], $0x80, v8, vm0, $0xb8;
	[tilespmem:$0x19200] =	vst v63  }
.Ltmp12:
0x22c: {  	(pc) =	sbr.rel @!p3 .LBB2_21-.Ltmp12, $4  }
0x22d: {  	[hbm4b:s17+s22] =	stream.indirect_vreg.scatter [tilespmem:s25], [sflag:$0x6], $0x80, v8, vm0, $0xb8;
	[tilespmem:$0x19200] =	vst v63  }
0x22e: {  	_ = 	snop  }
0x22f: {  	[hbm4b:s18+s22] =	stream.indirect_vreg.scatter [tilespmem:s0], [sflag:$0x6], $0x80, v8, vm0, $0xb8;
	[tilespmem:$0x19200] =	vst v63  }
0x230: {  	s10 =	sadd.s32 $0x10, s10  }
.LBB2_22:
0x231: {  	_ =	sdelay $0x3  }
0x232: {  	[hbm4b:s19+s22] =	stream.indirect_vreg.scatter [tilespmem:s6], [sflag:$0x6], $0x80, v8, vm0, $0xb8;
	[tilespmem:$0x19200] =	vst v63  }
.LBB2_15:
0x233: {  	p3 =	slt.s32 s29, $0x0  }
.Ltmp13:
0x234: {  	_ = 	snop;
	(pc) =	sbr.rel @p3 .LBB2_28-.Ltmp13, $1  }
0x235: {  	_ =	sdelay $0x3  }
.Ltmp14:
0x236: {  	(pc) =	sbr.rel .LBB2_17-.Ltmp14, $4  }
0x237: {  	s8 =	rddreg [dreg:$0x12]  }
0x238: {  	s9 =	sadd.s32 s30, s8  }
0x239: {  	s8 =	sadd.s32 $0x1, s9;
	s9 =	rddreg [dreg:$0xf]  }
0x23a: {  	s10 =	simm.s32 $0x0;
	s11 =	simm.s32 $0xFF0;
	[dreg:$0x13] =	wrdreg s8  }
.LBB2_25:
0x23b: {  	p3 =	slt.u32 s10, $0x2  }
0x23c: {  	p4 =	sge.s32 @!p3 s10, s29  }
0x23d: {  	p3 =	por p4, p3  }
0x23e: {  	v8 =	vlaneseq.u32 @!p3  }
0x23f: {  	v9 =	vadd.s32 @!p3 s9, v8  }
0x240: {  	vm1 =	vlt.s32 @!p3 v9, v7  }
0x241: {  	v9 =	vsel @!p3 vm1, v9, v7  }
0x242: {  	v10 =	vshll.u32 @!p3 v9, $0x4  }
0x243: {  	v9 =	vand.u32 @!p3 $0x7, v9;
	v10 =	vand.u32 @!p3 $0xFFFFFF80, v10  }
0x244: {  	v11 =	vshrl.u32 @!p3 v8, $0x3;
	v9 =	vor.u32 @!p3 v9, v10;
	v10 =	vand.u32 @!p3 $0x7, v8  }
0x245: {  	v11 =	vmul.u32 @!p3 $0x8, v11;
	v10 =	vperm.xlane @!p3 v9, v10;
	_ =	sdelay $0x1  }
0x246: {  	s12 =	simm.s32 @!p3 $0x5;
	v10 =	vadd.s32 @!p3 v11, v10  }
0x247: {  	_ =	swait.ge @!p3 [sflag:s12], $0x8000  }
0x248: {  	[sflag:s12] =	ssyncset.done @!p3 $0x0  }
0x249: {  	[sflag:s12] =	ssyncadd.s32 @!p3 $0xFFFF8000  }
0x24a: {  	s26 =	simm.s32 @!p3 $0x9200;
	vm1 =	vmmov @!p3 $0xffff;
	s12 =	simm.s32 @!p3 $0x0;
	s2 =	rddreg [dreg:$0x0]  }
0x24b: {  	[tilespmem:s26], [sflag:$0x3] =	stream.indirect_vreg.gather @!p3 [hbm4b:s2+s12], $0x80, v10, vm1, $0xb8;
	[tilespmem:$0x19200] =	vst v63  }
0x24c: {  	s31 =	rddreg [dreg:$0x5];
	s26 =	simm.s32 @!p3 $0x9A00  }
0x24d: {  	[tilespmem:s26], [sflag:$0x3] =	stream.indirect_vreg.gather @!p3 [hbm4b:s31+s12], $0x80, v10, vm1, $0xb8;
	[tilespmem:$0x19200] =	vst v63  }
0x24e: {  	s3 =	rddreg [dreg:$0x6];
	s26 =	simm.s32 @!p3 $0xA200  }
0x24f: {  	[tilespmem:s26], [sflag:$0x3] =	stream.indirect_vreg.gather @!p3 [hbm4b:s3+s12], $0x80, v10, vm1, $0xb8;
	[tilespmem:$0x19200] =	vst v63  }
0x250: {  	s30 =	rddreg [dreg:$0x7];
	s26 =	simm.s32 @!p3 $0xAA00  }
0x251: {  	[tilespmem:s26], [sflag:$0x3] =	stream.indirect_vreg.gather @!p3 [hbm4b:s30+s12], $0x80, v10, vm1, $0xb8;
	[tilespmem:$0x19200] =	vst v63  }
0x252: {  	s1 =	smov.u32 s9;
	s9 =	rddreg [dreg:$0x8];
	s26 =	simm.s32 @!p3 $0xB200  }
0x253: {  	v8 =	vor.u32 @!p3 $0x8, v8;
	[tilespmem:s26], [sflag:$0x3] =	stream.indirect_vreg.gather @!p3 [hbm4b:s9+s12], $0x80, v10, vm1, $0xb8;
	[tilespmem:$0x19200] =	vst v63  }
0x254: {  	s29 =	rddreg [dreg:$0x9];
	v8 =	vperm.xlane @!p3 v9, v8;
	s26 =	simm.s32 @!p3 $0xBA00  }
0x255: {  	[tilespmem:s26], [sflag:$0x3] =	stream.indirect_vreg.gather @!p3 [hbm4b:s29+s12], $0x80, v10, vm1, $0xb8;
	[tilespmem:$0x19200] =	vst v63  }
0x256: {  	s28 =	rddreg [dreg:$0xa];
	v8 =	vadd.s32 @!p3 v11, v8;
	s26 =	simm.s32 @!p3 $0xC200  }
0x257: {  	[tilespmem:s26], [sflag:$0x3] =	stream.indirect_vreg.gather @!p3 [hbm4b:s28+s12], $0x80, v10, vm1, $0xb8;
	[tilespmem:$0x19200] =	vst v63  }
0x258: {  	s8 =	rddreg [dreg:$0xb];
	s26 =	simm.s32 @!p3 $0xCA00  }
0x259: {  	[tilespmem:s26], [sflag:$0x3] =	stream.indirect_vreg.gather @!p3 [hbm4b:s8+s12], $0x80, v10, vm1, $0xb8;
	[tilespmem:$0x19200] =	vst v63  }
0x25a: {  	s26 =	simm.s32 @!p3 $0xD200  }
0x25b: {  	[tilespmem:s26], [sflag:$0x3] =	stream.indirect_vreg.gather @!p3 [hbm4b:s2+s12], $0x80, v8, vm1, $0xb8;
	[tilespmem:$0x19200] =	vst v63  }
0x25c: {  	s26 =	simm.s32 @!p3 $0xDA00  }
0x25d: {  	[tilespmem:s26], [sflag:$0x3] =	stream.indirect_vreg.gather @!p3 [hbm4b:s31+s12], $0x80, v8, vm1, $0xb8;
	[tilespmem:$0x19200] =	vst v63  }
0x25e: {  	s26 =	simm.s32 @!p3 $0xE200  }
0x25f: {  	[tilespmem:s26], [sflag:$0x3] =	stream.indirect_vreg.gather @!p3 [hbm4b:s3+s12], $0x80, v8, vm1, $0xb8;
	[tilespmem:$0x19200] =	vst v63  }
0x260: {  	s26 =	simm.s32 @!p3 $0xEA00  }
0x261: {  	[tilespmem:s26], [sflag:$0x3] =	stream.indirect_vreg.gather @!p3 [hbm4b:s30+s12], $0x80, v8, vm1, $0xb8;
	[tilespmem:$0x19200] =	vst v63  }
0x262: {  	s26 =	simm.s32 @!p3 $0xF200  }
0x263: {  	[tilespmem:s26], [sflag:$0x3] =	stream.indirect_vreg.gather @!p3 [hbm4b:s9+s12], $0x80, v8, vm1, $0xb8;
	[tilespmem:$0x19200] =	vst v63  }
0x264: {  	s26 =	simm.s32 @!p3 $0xFA00  }
0x265: {  	[tilespmem:s26], [sflag:$0x3] =	stream.indirect_vreg.gather @!p3 [hbm4b:s29+s12], $0x80, v8, vm1, $0xb8;
	[tilespmem:$0x19200] =	vst v63  }
0x266: {  	s26 =	simm.s32 @!p3 $0x10200  }
0x267: {  	[tilespmem:s26], [sflag:$0x3] =	stream.indirect_vreg.gather @!p3 [hbm4b:s28+s12], $0x80, v8, vm1, $0xb8;
	[tilespmem:$0x19200] =	vst v63  }
0x268: {  	s30 =	simm.s32 $0x2;
	s26 =	simm.s32 @!p3 $0x10A00  }
0x269: {  	[tilespmem:s26], [sflag:$0x3] =	stream.indirect_vreg.gather @!p3 [hbm4b:s8+s12], $0x80, v8, vm1, $0xb8;
	[tilespmem:$0x19200] =	vst v63  }
0x26a: {  	s29 =	rddreg [dreg:$0x10];
	_ =	swait.ge [sflag:s30], $0x8000  }
0x26b: {  	[sflag:s30] =	ssyncset.done $0x0  }
0x26c: {  	[sflag:s30] =	ssyncadd.s32 $0xFFFF8000  }
0x26d: {  	v8 =	vld [tilespmem:s11+$0x0];
	_ =	sdelay $0x4  }
0x26e: {  	v63 =	vshll.u32 v8, $0x4  }
0x26f: {  	v8 =	vand.u32 $0x7, v8;
	v9 =	vand.u32 $0xFFFFFF80, v63  }
0x270: {  	v8 =	vor.u32 v8, v9  }
0x271: {  	v9 =	vperm.xlane v8, v3;
	_ =	sdelay $0x1  }
0x272: {  	v9 =	vadd.s32 v4, v9;
	_ =	sdelay $0x3  }
0x273: {  	s12 =	simm.s32 $0x1200  }
0x274: {  	[hbm4b:s4+s22] =	stream.indirect_vreg.scatter [tilespmem:s12], [sflag:$0x4], $0x80, v9, vm0, $0xb8;
	[tilespmem:$0x19200] =	vst v63  }
0x275: {  	s26 =	simm.s32 $0x1A00  }
0x276: {  	[hbm4b:s13+s22] =	stream.indirect_vreg.scatter [tilespmem:s26], [sflag:$0x4], $0x80, v9, vm0, $0xb8;
	[tilespmem:$0x19200] =	vst v63  }
0x277: {  	s28 =	simm.s32 $0x2200  }
0x278: {  	[hbm4b:s14+s22] =	stream.indirect_vreg.scatter [tilespmem:s28], [sflag:$0x4], $0x80, v9, vm0, $0xb8;
	[tilespmem:$0x19200] =	vst v63  }
0x279: {  	s30 =	simm.s32 $0x2A00  }
0x27a: {  	[hbm4b:s15+s22] =	stream.indirect_vreg.scatter [tilespmem:s30], [sflag:$0x4], $0x80, v9, vm0, $0xb8;
	[tilespmem:$0x19200] =	vst v63  }
0x27b: {  	s12 =	simm.s32 $0x3200  }
0x27c: {  	[hbm4b:s16+s22] =	stream.indirect_vreg.scatter [tilespmem:s12], [sflag:$0x4], $0x80, v9, vm0, $0xb8;
	[tilespmem:$0x19200] =	vst v63  }
0x27d: {  	v8 =	vperm.xlane v8, v5;
	s26 =	simm.s32 $0x3A00  }
0x27e: {  	[hbm4b:s17+s22] =	stream.indirect_vreg.scatter [tilespmem:s26], [sflag:$0x4], $0x80, v9, vm0, $0xb8;
	[tilespmem:$0x19200] =	vst v63  }
0x27f: {  	v8 =	vadd.s32 v4, v8;
	s28 =	simm.s32 $0x4200  }
0x280: {  	[hbm4b:s18+s22] =	stream.indirect_vreg.scatter [tilespmem:s28], [sflag:$0x4], $0x80, v9, vm0, $0xb8;
	[tilespmem:$0x19200] =	vst v63  }
0x281: {  	s30 =	simm.s32 $0x4A00  }
0x282: {  	[hbm4b:s19+s22] =	stream.indirect_vreg.scatter [tilespmem:s30], [sflag:$0x4], $0x80, v9, vm0, $0xb8;
	[tilespmem:$0x19200] =	vst v63  }
0x283: {  	s12 =	simm.s32 $0x5200  }
0x284: {  	[hbm4b:s4+s22] =	stream.indirect_vreg.scatter [tilespmem:s12], [sflag:$0x4], $0x80, v8, vm0, $0xb8;
	[tilespmem:$0x19200] =	vst v63  }
0x285: {  	s26 =	simm.s32 $0x5A00  }
0x286: {  	[hbm4b:s13+s22] =	stream.indirect_vreg.scatter [tilespmem:s26], [sflag:$0x4], $0x80, v8, vm0, $0xb8;
	[tilespmem:$0x19200] =	vst v63  }
0x287: {  	s28 =	simm.s32 $0x6200  }
0x288: {  	[hbm4b:s14+s22] =	stream.indirect_vreg.scatter [tilespmem:s28], [sflag:$0x4], $0x80, v8, vm0, $0xb8;
	[tilespmem:$0x19200] =	vst v63  }
0x289: {  	s30 =	simm.s32 $0x6A00  }
0x28a: {  	[hbm4b:s15+s22] =	stream.indirect_vreg.scatter [tilespmem:s30], [sflag:$0x4], $0x80, v8, vm0, $0xb8;
	[tilespmem:$0x19200] =	vst v63  }
0x28b: {  	s12 =	simm.s32 $0x7200  }
0x28c: {  	[hbm4b:s16+s22] =	stream.indirect_vreg.scatter [tilespmem:s12], [sflag:$0x4], $0x80, v8, vm0, $0xb8;
	[tilespmem:$0x19200] =	vst v63  }
0x28d: {  	s2 =	simm.s32 $0x14200;
	s26 =	simm.s32 $0x7A00  }
0x28e: {  	[hbm4b:s17+s22] =	stream.indirect_vreg.scatter [tilespmem:s26], [sflag:$0x4], $0x80, v8, vm0, $0xb8;
	[tilespmem:$0x19200] =	vst v63  }
0x28f: {  	s31 =	simm.s32 $0x13200;
	s3 =	simm.s32 $0x14A00;
	s28 =	simm.s32 $0x8200  }
0x290: {  	[hbm4b:s18+s22] =	stream.indirect_vreg.scatter [tilespmem:s28], [sflag:$0x4], $0x80, v8, vm0, $0xb8;
	[tilespmem:$0x19200] =	vst v63  }
0x291: {  	s9 =	smov.u32 s1;
	s1 =	simm.s32 $0x13A00;
	s30 =	simm.s32 $0x8A00  }
0x292: {  	[hbm4b:s19+s22] =	stream.indirect_vreg.scatter [tilespmem:s30], [sflag:$0x4], $0x80, v8, vm0, $0xb8;
	[tilespmem:$0x19200] =	vst v63  }
.LBB2_26:
0x293: {  	s10 =	sadd.s32 $0x1, s10;
	s8 =	rddreg [dreg:$0x13]  }
0x294: {  	p3 =	sne.s32 s8, s10  }
.Ltmp15:
0x295: {  	_ = 	snop;
	(pc) =	sbr.rel @!p3 .LBB2_27-.Ltmp15, $2  }
0x296: {  	_ =	sdelay $0x2  }
0x297: {  	s9 =	sadd.s32 $0x10, s9;
	s11 =	sadd.s32 $0x10, s11  }
.LBB2_17:
0x298: {  	s12 =	sand.u32 $0x1, s10  }
0x299: {  	p3 =	seq.s32 s12, $0x1  }
.Ltmp16:
0x29a: {  	_ = 	snop;
	(pc) =	sbr.rel @p3 .LBB2_25-.Ltmp16, $1  }
0x29b: {  	_ =	sdelay $0x3  }
0x29c: {  	p3 =	slt.u32 s10, $0x2  }
0x29d: {  	p4 =	sge.s32 @!p3 s10, s29  }
0x29e: {  	p3 =	por p3, p4  }
.Ltmp17:
0x29f: {  	_ = 	snop;
	(pc) =	sbr.rel @p3 .LBB2_23-.Ltmp17, $1  }
0x2a0: {  	_ =	sdelay $0x3  }
0x2a1: {  	v8 =	vadd.s32 s9, v0  }
0x2a2: {  	vm1 =	vlt.s32 v8, v7  }
0x2a3: {  	v8 =	vsel vm1, v8, v7  }
0x2a4: {  	v9 =	vshll.u32 v8, $0x4  }
0x2a5: {  	v8 =	vand.u32 $0x7, v8;
	v9 =	vand.u32 $0xFFFFFF80, v9  }
0x2a6: {  	v8 =	vor.u32 v8, v9  }
0x2a7: {  	v9 =	vperm.xlane v8, v3;
	_ =	sdelay $0x1  }
0x2a8: {  	s8 =	simm.s32 $0x4;
	v9 =	vadd.s32 v4, v9  }
0x2a9: {  	_ =	swait.ge [sflag:s8], $0x8000  }
0x2aa: {  	[sflag:s8] =	ssyncset.done $0x0  }
0x2ab: {  	[sflag:s8] =	ssyncadd.s32 $0xFFFF8000  }
0x2ac: {  	s3 =	simm.s32 $0x1200;
	s2 =	rddreg [dreg:$0x0]  }
0x2ad: {  	[tilespmem:s3], [sflag:$0x2] =	stream.indirect_vreg.gather [hbm4b:s2+s22], $0x80, v9, vm0, $0xb8;
	[tilespmem:$0x19200] =	vst v63  }
0x2ae: {  	s26 =	simm.s32 $0x1A00;
	s31 =	rddreg [dreg:$0x5]  }
0x2af: {  	[tilespmem:s26], [sflag:$0x2] =	stream.indirect_vreg.gather [hbm4b:s31+s22], $0x80, v9, vm0, $0xb8;
	[tilespmem:$0x19200] =	vst v63  }
0x2b0: {  	s28 =	simm.s32 $0x2200;
	s3 =	rddreg [dreg:$0x6]  }
0x2b1: {  	[tilespmem:s28], [sflag:$0x2] =	stream.indirect_vreg.gather [hbm4b:s3+s22], $0x80, v9, vm0, $0xb8;
	[tilespmem:$0x19200] =	vst v63  }
0x2b2: {  	s30 =	simm.s32 $0x2A00;
	s26 =	rddreg [dreg:$0x7]  }
0x2b3: {  	[tilespmem:s30], [sflag:$0x2] =	stream.indirect_vreg.gather [hbm4b:s26+s22], $0x80, v9, vm0, $0xb8;
	[tilespmem:$0x19200] =	vst v63  }
0x2b4: {  	s1 =	simm.s32 $0x3200;
	s30 =	rddreg [dreg:$0x8]  }
0x2b5: {  	[tilespmem:s1], [sflag:$0x2] =	stream.indirect_vreg.gather [hbm4b:s30+s22], $0x80, v9, vm0, $0xb8;
	[tilespmem:$0x19200] =	vst v63  }
0x2b6: {  	v8 =	vperm.xlane v8, v5;
	s28 =	simm.s32 $0x3A00;
	s1 =	smov.u32 s9;
	s9 =	rddreg [dreg:$0x9]  }
0x2b7: {  	[tilespmem:s28], [sflag:$0x2] =	stream.indirect_vreg.gather [hbm4b:s9+s22], $0x80, v9, vm0, $0xb8;
	[tilespmem:$0x19200] =	vst v63  }
0x2b8: {  	s29 =	rddreg [dreg:$0xa];
	v8 =	vadd.s32 v4, v8;
	s28 =	simm.s32 $0x4200  }
0x2b9: {  	[tilespmem:s28], [sflag:$0x2] =	stream.indirect_vreg.gather [hbm4b:s29+s22], $0x80, v9, vm0, $0xb8;
	[tilespmem:$0x19200] =	vst v63  }
0x2ba: {  	s8 =	simm.s32 $0x4A00;
	s28 =	rddreg [dreg:$0xb]  }
0x2bb: {  	[tilespmem:s8], [sflag:$0x2] =	stream.indirect_vreg.gather [hbm4b:s28+s22], $0x80, v9, vm0, $0xb8;
	[tilespmem:$0x19200] =	vst v63  }
0x2bc: {  	s8 =	simm.s32 $0x5200  }
0x2bd: {  	[tilespmem:s8], [sflag:$0x2] =	stream.indirect_vreg.gather [hbm4b:s2+s22], $0x80, v8, vm0, $0xb8;
	[tilespmem:$0x19200] =	vst v63  }
0x2be: {  	s8 =	simm.s32 $0x5A00  }
0x2bf: {  	[tilespmem:s8], [sflag:$0x2] =	stream.indirect_vreg.gather [hbm4b:s31+s22], $0x80, v8, vm0, $0xb8;
	[tilespmem:$0x19200] =	vst v63  }
0x2c0: {  	s8 =	simm.s32 $0x6200  }
0x2c1: {  	[tilespmem:s8], [sflag:$0x2] =	stream.indirect_vreg.gather [hbm4b:s3+s22], $0x80, v8, vm0, $0xb8;
	[tilespmem:$0x19200] =	vst v63  }
0x2c2: {  	s8 =	simm.s32 $0x6A00  }
0x2c3: {  	[tilespmem:s8], [sflag:$0x2] =	stream.indirect_vreg.gather [hbm4b:s26+s22], $0x80, v8, vm0, $0xb8;
	[tilespmem:$0x19200] =	vst v63  }
0x2c4: {  	s26 =	simm.s32 $0x7200  }
0x2c5: {  	[tilespmem:s26], [sflag:$0x2] =	stream.indirect_vreg.gather [hbm4b:s30+s22], $0x80, v8, vm0, $0xb8;
	[tilespmem:$0x19200] =	vst v63  }
0x2c6: {  	s30 =	simm.s32 $0x7A00  }
0x2c7: {  	[tilespmem:s30], [sflag:$0x2] =	stream.indirect_vreg.gather [hbm4b:s9+s22], $0x80, v8, vm0, $0xb8;
	[tilespmem:$0x19200] =	vst v63  }
.Ltmp18:
0x2c8: {  	s2 =	simm.s32 $0x14200;
	s31 =	simm.s32 $0x13200;
	(pc) =	sbr.rel .LBB2_24-.Ltmp18, $4  }
0x2c9: {  	s3 =	simm.s32 $0x14A00;
	s26 =	simm.s32 $0x8200;
	s9 =	smov.u32 s1  }
0x2ca: {  	[tilespmem:s26], [sflag:$0x2] =	stream.indirect_vreg.gather [hbm4b:s29+s22], $0x80, v8, vm0, $0xb8;
	[tilespmem:$0x19200] =	vst v63  }
0x2cb: {  	s1 =	simm.s32 $0x13A00;
	s30 =	simm.s32 $0x8A00;
	s29 =	rddreg [dreg:$0x10]  }
0x2cc: {  	[tilespmem:s30], [sflag:$0x2] =	stream.indirect_vreg.gather [hbm4b:s28+s22], $0x80, v8, vm0, $0xb8;
	[tilespmem:$0x19200] =	vst v63  }
.LBB2_23:
0x2cd: {  	p3 =	seq.s32 s10, $0x0  }
.Ltmp19:
0x2ce: {  	_ = 	snop;
	(pc) =	sbr.rel @p3 .LBB2_26-.Ltmp19, $1  }
0x2cf: {  	_ =	sdelay $0x3  }
.LBB2_24:
0x2d0: {  	s8 =	simm.s32 $0x3  }
0x2d1: {  	_ =	swait.ge [sflag:s8], $0x8000  }
0x2d2: {  	[sflag:s8] =	ssyncset.done $0x0  }
0x2d3: {  	[sflag:s8] =	ssyncadd.s32 $0xFFFF8000  }
0x2d4: {  	v8 =	vld [tilespmem:s11+$0x0];
	_ =	sdelay $0x4  }
0x2d5: {  	v9 =	vshll.u32 v8, $0x4  }
0x2d6: {  	v8 =	vand.u32 $0x7, v8;
	v9 =	vand.u32 $0xFFFFFF80, v9  }
0x2d7: {  	v8 =	vor.u32 v8, v9  }
0x2d8: {  	v9 =	vperm.xlane v8, v3;
	_ =	sdelay $0x1  }
0x2d9: {  	v9 =	vadd.s32 v4, v9;
	_ =	sdelay $0x3  }
0x2da: {  	s30 =	simm.s32 $0x9200  }
0x2db: {  	[hbm4b:s4+s22] =	stream.indirect_vreg.scatter [tilespmem:s30], [sflag:$0x5], $0x80, v9, vm0, $0xb8;
	[tilespmem:$0x19200] =	vst v63  }
0x2dc: {  	s26 =	simm.s32 $0x9A00  }
0x2dd: {  	[hbm4b:s13+s22] =	stream.indirect_vreg.scatter [tilespmem:s26], [sflag:$0x5], $0x80, v9, vm0, $0xb8;
	[tilespmem:$0x19200] =	vst v63  }
0x2de: {  	s28 =	simm.s32 $0xA200  }
0x2df: {  	[hbm4b:s14+s22] =	stream.indirect_vreg.scatter [tilespmem:s28], [sflag:$0x5], $0x80, v9, vm0, $0xb8;
	[tilespmem:$0x19200] =	vst v63  }
0x2e0: {  	s30 =	simm.s32 $0xAA00  }
0x2e1: {  	[hbm4b:s15+s22] =	stream.indirect_vreg.scatter [tilespmem:s30], [sflag:$0x5], $0x80, v9, vm0, $0xb8;
	[tilespmem:$0x19200] =	vst v63  }
0x2e2: {  	s26 =	simm.s32 $0xB200  }
0x2e3: {  	[hbm4b:s16+s22] =	stream.indirect_vreg.scatter [tilespmem:s26], [sflag:$0x5], $0x80, v9, vm0, $0xb8;
	[tilespmem:$0x19200] =	vst v63  }
0x2e4: {  	v8 =	vperm.xlane v8, v5;
	s28 =	simm.s32 $0xBA00  }
0x2e5: {  	[hbm4b:s17+s22] =	stream.indirect_vreg.scatter [tilespmem:s28], [sflag:$0x5], $0x80, v9, vm0, $0xb8;
	[tilespmem:$0x19200] =	vst v63  }
0x2e6: {  	v8 =	vadd.s32 v4, v8;
	s30 =	simm.s32 $0xC200  }
0x2e7: {  	[hbm4b:s18+s22] =	stream.indirect_vreg.scatter [tilespmem:s30], [sflag:$0x5], $0x80, v9, vm0, $0xb8;
	[tilespmem:$0x19200] =	vst v63  }
0x2e8: {  	s26 =	simm.s32 $0xCA00  }
0x2e9: {  	[hbm4b:s19+s22] =	stream.indirect_vreg.scatter [tilespmem:s26], [sflag:$0x5], $0x80, v9, vm0, $0xb8;
	[tilespmem:$0x19200] =	vst v63  }
0x2ea: {  	s28 =	simm.s32 $0xD200  }
0x2eb: {  	[hbm4b:s4+s22] =	stream.indirect_vreg.scatter [tilespmem:s28], [sflag:$0x5], $0x80, v8, vm0, $0xb8;
	[tilespmem:$0x19200] =	vst v63  }
0x2ec: {  	s30 =	simm.s32 $0xDA00  }
0x2ed: {  	[hbm4b:s13+s22] =	stream.indirect_vreg.scatter [tilespmem:s30], [sflag:$0x5], $0x80, v8, vm0, $0xb8;
	[tilespmem:$0x19200] =	vst v63  }
0x2ee: {  	s26 =	simm.s32 $0xE200  }
0x2ef: {  	[hbm4b:s14+s22] =	stream.indirect_vreg.scatter [tilespmem:s26], [sflag:$0x5], $0x80, v8, vm0, $0xb8;
	[tilespmem:$0x19200] =	vst v63  }
0x2f0: {  	s28 =	simm.s32 $0xEA00  }
0x2f1: {  	[hbm4b:s15+s22] =	stream.indirect_vreg.scatter [tilespmem:s28], [sflag:$0x5], $0x80, v8, vm0, $0xb8;
	[tilespmem:$0x19200] =	vst v63  }
0x2f2: {  	s30 =	simm.s32 $0xF200  }
0x2f3: {  	[hbm4b:s16+s22] =	stream.indirect_vreg.scatter [tilespmem:s30], [sflag:$0x5], $0x80, v8, vm0, $0xb8;
	[tilespmem:$0x19200] =	vst v63  }
0x2f4: {  	p3 =	seq.s32 s12, $0x0;
	s26 =	simm.s32 $0xFA00  }
0x2f5: {  	[hbm4b:s17+s22] =	stream.indirect_vreg.scatter [tilespmem:s26], [sflag:$0x5], $0x80, v8, vm0, $0xb8;
	[tilespmem:$0x19200] =	vst v63  }
.Ltmp20:
0x2f6: {  	_ = 	snop;
	(pc) =	sbr.rel @p3 .LBB2_26-.Ltmp20, $4  }
.Ltmp21:
0x2f7: {  	s28 =	simm.s32 $0x10200;
	(pc) =	sbr.rel @!p3 .LBB2_25-.Ltmp21, $4  }
0x2f8: {  	[hbm4b:s18+s22] =	stream.indirect_vreg.scatter [tilespmem:s28], [sflag:$0x5], $0x80, v8, vm0, $0xb8;
	[tilespmem:$0x19200] =	vst v63  }
0x2f9: {  	s30 =	simm.s32 $0x10A00  }
0x2fa: {  	[hbm4b:s19+s22] =	stream.indirect_vreg.scatter [tilespmem:s30], [sflag:$0x5], $0x80, v8, vm0, $0xb8;
	[tilespmem:$0x19200] =	vst v63  }
0x2fb: {  	_ = 	snop  }
.LBB2_27:
0x2fc: {  	s8 =	simm.s32 @!p1 $0x4  }
0x2fd: {  	_ =	swait.ge @!p1 [sflag:s8], $0x8000  }
0x2fe: {  	[sflag:s8] =	ssyncset.done @!p1 $0x0  }
0x2ff: {  	[sflag:s8] =	ssyncadd.s32 @!p1 $0xFFFF8000  }
.LBB2_28:
0x300: {  	s8 =	simm.s32 @p2 $0x5  }
0x301: {  	_ =	swait.ge @p2 [sflag:s8], $0x8000  }
0x302: {  	s10 =	rddreg [dreg:$0x11]  }
0x303: {  	p1 =	slt.s32 s10, $0x1  }
.Ltmp22:
0x304: {  	_ = 	snop;
	(pc) =	sbr.rel @p1 .LBB2_32-.Ltmp22, $3  }
0x305: {  	_ =	sdelay $0x1  }
0x306: {  	[sflag:s8] =	ssyncset.done @p2 $0x0  }
0x307: {  	s9 =	rddreg [dreg:$0xe];
	[sflag:s8] =	ssyncadd.s32 @p2 $0xFFFF8000  }
0x308: {  	p1 =	sne.s32 s10, $0x1  }
.Ltmp23:
0x309: {  	_ = 	snop;
	(pc) =	sbr.rel @!p1 .LBB2_31-.Ltmp23, $3  }
0x30a: {  	_ =	sdelay $0x1  }
0x30b: {  	_ =	swait.ge [sflag:s7], $0x8000  }
0x30c: {  	s8 =	sadd.s32 $0xFFFFFFFF, s10;
	[sflag:s7] =	ssyncset.done $0x0  }
.LBB2_30:
0x30d: {  	p1 =	sne.s32 s8, $0x1;
	s8 =	sadd.s32 $0xFFFFFFFF, s8;
	[sflag:s7] =	ssyncadd.s32 $0xFFFF8000  }
.Ltmp24:
0x30e: {  	(pc) =	sbr.rel @p1 .LBB2_30-.Ltmp24, $3  }
0x30f: {  	_ =	sdelay $0x1  }
0x310: {  	_ =	swait.ge [sflag:s7], $0x8000  }
0x311: {  	[sflag:s7] =	ssyncset.done $0x0  }
.Ltmp25:
0x312: {  	_ = 	snop;
	(pc) =	sbr.rel .LBB2_31-.Ltmp25, $1  }
0x313: {  	_ =	sdelay $0x3  }
.LBB2_3:
.Ltmp26:
0x314: {  	(pc) =	sbr.rel .LBB2_6-.Ltmp26, $2  }
0x315: {  	_ =	sdelay $0x2  }
0x316: {  	_ = 	snop  }
.LBB2_33:
0x317: {  	_ =	sfence.sel $0x180000  }
0x318: {  	[bflag:$0x0] =	sbarrier.arrive $0xFFFF  }
0x319: {  	_ =	strace $0x90000047  }
0x31a: {  	s0 =	stileid.u32;
	[bflag:$0x2] =	sbarrier.arrive $0xFFFF  }
0x31b: {  	p0 =	sne.s32 s0, $0x0;
	s0 =	rddreg [dreg:$0x3]  }
0x31c: {  	s0 =	sadd.s32 @!p0 $0x100000, s0  }
0x31d: {  	[sflag:s0] =	ssyncadd.tile.s32 @!p0 $0x1;
	_ =	shalt  }
.Lfunc_end2:
_tile_overlayer_lowered:
.L_overlay_start_2:
0x31e: {  	(tag) =	ssettag $0x2  }
0x31f: {  	s0 =	rddreg [dreg:$0x0];
	s2 =	stileid.u32  }
0x320: {  	s1 =	rddreg [dreg:$0x1];
	p0 =	sne.s32 s2, $0x0  }
0x321: {  	s3 =	rddreg [dreg:$0x2];
	[bflag:$0x3] =	sbarrier.arrive $0xFFFF;
	s2 =	simm.s32 @!p0 $0x1C07  }
0x322: {  	[timem:s3], [sflag:s2] =	dma.local @!p0 [hbm:s0], s1  }
0x323: {  	s0 =	simm.s32 @!p0 $0x7  }
0x324: {  	_ =	swait.ge @!p0 [sflag:s0], s1  }
0x325: {  	s1 =	ssub.s32 @!p0 $0x0, s1;
	[sflag:s0] =	ssyncset.done @!p0 $0x0  }
0x326: {  	[sflag:s0] =	ssyncadd.s32 @!p0 s1  }
0x327: {  	[bflag:$0x3] =	sbarrier.arrive $0xFFFF  }
0x328: {  	_ =	shalt  }

</sc_bundles>
